<compile_context>
chip_gen: v7x
topology: tpu7x:2x2x1
jax: 0.10.2.dev20260603
libtpu: 0.0.44.dev20260713+nightly
codegen_flags: <defaults>
</compile_context>

<pallas_src>
import functools

import jax
import jax.numpy as jnp
from jax import lax
from jax.experimental import pallas as pl
from jax.experimental.pallas import tpu as pltpu
from jax.experimental.pallas import tpu_sc as plsc

N = 10000
D = 256
DH = 128
NP = 10240
E = 160000
EP = 163840
NC = 2
NS = 16
RPT = NP // NS
R = 1000
GRID = N // R

_MESH = dict(core_axis_name="c", subcore_axis_name="s", num_cores=NC,
             num_subcores=NS)



NH = NP // NC
NHP = NH + 128


def _hist_body(dst_hbm, o_hbm, z_hbm, out_hbm, idx_v, ones_v, hist_sh, sem):
    c = lax.axis_index("c")
    s = lax.axis_index("s")
    nrow = EP // 128 // NS
    pltpu.sync_copy(dst_hbm.at[pl.ds(c * (EP // 128) + s * nrow, nrow)],
                    idx_v)
    pltpu.sync_copy(o_hbm, ones_v)
    pltpu.sync_copy(z_hbm, hist_sh.at[pl.ds(s * (NHP // NS), NHP // NS)])
    plsc.subcore_barrier()

    @pl.loop(0, nrow)
    def _issue(j):
        @pl.when(j >= 8)
        def _():
            pltpu.make_async_copy(o_hbm, ones_v, sem).wait()
        pltpu.async_copy(ones_v, hist_sh.at[idx_v.at[j]], sem, add=True)

    @pl.loop(0, 8)
    def _drain(j):
        pltpu.make_async_copy(o_hbm, ones_v, sem).wait()
    plsc.subcore_barrier()
    pltpu.sync_copy(hist_sh.at[pl.ds(s * (NH // NS), NH // NS)],
                    out_hbm.at[pl.ds(c * NH + s * (NH // NS), NH // NS)])


@functools.cache
def _hist_kernel():
    return functools.partial(
        pl.kernel,
        out_type=jax.ShapeDtypeStruct((NP, DH), jnp.float32),
        mesh=plsc.VectorSubcoreMesh(**_MESH),
        scratch_types=[
            pltpu.VMEM((EP // 128 // NS, 128), jnp.int32),
            pltpu.VMEM((128, DH), jnp.float32),
            pltpu.VMEM_SHARED((NHP, DH), jnp.float32),
            pltpu.SemaphoreType.DMA,
        ],
    )(_hist_body)



def _scatter_body(y_hbm, si_hbm, di_hbm, z_hbm, out_hbm,
                  sidx_v, didx_v, row_v, agg_sh):
    c = lax.axis_index("c")
    s = lax.axis_index("s")
    nrow = EP // 128 // NS
    pltpu.sync_copy(si_hbm.at[pl.ds(c * (EP // 128) + s * nrow, nrow)], sidx_v)
    pltpu.sync_copy(di_hbm.at[pl.ds(s * nrow, nrow)], didx_v)
    pltpu.sync_copy(z_hbm, agg_sh.at[pl.ds(s * RPT, RPT)])
    plsc.subcore_barrier()

    @pl.loop(0, nrow)
    def _batch(j):
        pltpu.sync_copy(y_hbm.at[sidx_v.at[j]], row_v)
        pltpu.sync_copy(row_v, agg_sh.at[didx_v.at[j]], add=True)

    plsc.subcore_barrier()
    pltpu.sync_copy(agg_sh.at[pl.ds(s * RPT, RPT)],
                    out_hbm.at[pl.ds(c * NP + s * RPT, RPT)])


@functools.cache
def _scatter_kernel():
    return functools.partial(
        pl.kernel,
        out_type=jax.ShapeDtypeStruct((NC * NP, DH), jnp.float32),
        mesh=plsc.VectorSubcoreMesh(**_MESH),
        scratch_types=[
            pltpu.VMEM((EP // 128 // NS, 128), jnp.int32),
            pltpu.VMEM((EP // 128 // NS, 128), jnp.int32),
            pltpu.VMEM((128, DH), jnp.float32),
            pltpu.VMEM_SHARED((NP, DH), jnp.float32),
        ],
    )(_scatter_body)



def _dinv(h_ref):
    return lax.rsqrt(h_ref[:, 0:1] + 1.0)


def _dot(a, b):
    return jnp.dot(a, b, preferred_element_type=jnp.float32,
                   precision=lax.Precision.HIGHEST)


def _tc_prep_body(x_ref, w_ref, h_ref, y_ref):
    dinv = _dinv(h_ref)
    y = _dot(x_ref[...], w_ref[...]) * dinv
    y_ref[0] = y[:, :DH]
    y_ref[1] = y[:, DH:]


def _tc_mid_body(agg_ref, y_ref, h_ref, w_ref, b_ref, out_ref):
    dinv = _dinv(h_ref)
    aggc = jnp.concatenate([agg_ref[0], agg_ref[1]], axis=1)
    yc = jnp.concatenate([y_ref[0], y_ref[1]], axis=1)
    hid = jnp.maximum(dinv * (aggc + yc) + b_ref[...], 0.0)
    y2 = _dot(hid, w_ref[...]) * dinv
    out_ref[0] = y2[:, :DH]
    out_ref[1] = y2[:, DH:]


def _tc_fin_body(agg_ref, y_ref, h_ref, b_ref, wo_ref, bo_ref, out_ref):
    dinv = _dinv(h_ref)
    aggc = jnp.concatenate([agg_ref[0], agg_ref[1]], axis=1)
    yc = jnp.concatenate([y_ref[0], y_ref[1]], axis=1)
    hid = jnp.maximum(dinv * (aggc + yc) + b_ref[...], 0.0)
    logits = _dot(hid, wo_ref[...]) + bo_ref[...]
    m = jnp.max(logits, axis=1, keepdims=True)
    lse = jnp.log(jnp.sum(jnp.exp(logits - m), axis=1, keepdims=True)) + m
    out_ref[...] = logits - lse


def _spec_rows(shape):
    return pl.BlockSpec((R,) + shape[1:], lambda i: (i,) + (0,) * len(shape[1:]))


def _spec_full(shape):
    return pl.BlockSpec(shape, lambda i: (0,) * len(shape))


_SPLIT_SPEC = pl.BlockSpec((NC, R, DH), lambda i: (0, i, 0))
_HIST_SPEC = pl.BlockSpec((R, DH), lambda i: (i, 0))


def _tc_prep(x, w1, hist):
    return pl.pallas_call(
        _tc_prep_body,
        grid=(GRID,),
        in_specs=[_spec_rows((N, D)), _spec_full((D, D)), _HIST_SPEC],
        out_specs=_SPLIT_SPEC,
        out_shape=jax.ShapeDtypeStruct((NC, N, DH), jnp.float32),
    )(x, w1, hist)


def _tc_mid(agg, y, hist, w2, b1):
    return pl.pallas_call(
        _tc_mid_body,
        grid=(GRID,),
        in_specs=[_SPLIT_SPEC, _SPLIT_SPEC, _HIST_SPEC,
                  _spec_full((D, D)), _spec_full((1, D))],
        out_specs=_SPLIT_SPEC,
        out_shape=jax.ShapeDtypeStruct((NC, N, DH), jnp.float32),
    )(agg, y, hist, w2, b1)


def _tc_fin(agg, y, hist, b2, wout, bout):
    return pl.pallas_call(
        _tc_fin_body,
        grid=(GRID,),
        in_specs=[_SPLIT_SPEC, _SPLIT_SPEC, _HIST_SPEC,
                  _spec_full((1, D)),
                  _spec_full((D, 32)), _spec_full((1, 32))],
        out_specs=_spec_rows((N, 32)),
        out_shape=jax.ShapeDtypeStruct((N, 32), jnp.float32),
    )(agg, y, hist, b2, wout, bout)




def kernel(x, edge_index, W1, b1, W2, b2, Wout, bout):
    src = edge_index[0].astype(jnp.int32)
    dst = edge_index[1].astype(jnp.int32)
    pad = EP - E
    src_p = jnp.concatenate([src, jnp.zeros((pad,), jnp.int32)])
    dst_p = jnp.concatenate([dst, jnp.full((pad,), N, jnp.int32)])
    src2 = jnp.concatenate([src_p, src_p + N]).reshape(2 * EP // 128, 128)
    dst_r = dst_p.reshape(EP // 128, 128)

    o128 = jnp.ones((128, DH), jnp.float32)
    z128 = jnp.zeros((RPT, DH), jnp.float32)
    zh = jnp.zeros((NHP // NS, DH), jnp.float32)

    dsth = jnp.stack([jnp.where((dst_p >= c * NH) & (dst_p < (c + 1) * NH),
                                dst_p - c * NH, NH) for c in range(NC)])
    dsth_r = dsth.reshape(NC * EP // 128, 128)

    hist = _hist_kernel()(dsth_r, o128, zh)

    y1 = _tc_prep(x, W1, hist)
    agg1 = _scatter_kernel()(y1.reshape(NC * N, DH), src2, dst_r, z128)
    agg1 = agg1.reshape(NC, NP, DH)

    y2 = _tc_mid(agg1, y1, hist, W2, b1.reshape(1, D))
    agg2 = _scatter_kernel()(y2.reshape(NC * N, DH), src2, dst_r, z128)
    agg2 = agg2.reshape(NC, NP, DH)

    return _tc_fin(agg2, y2, hist, b2.reshape(1, D),
                   Wout, bout.reshape(1, 32))

# --- scband reference (transcript-rebuilt; emitter-appended) ---
"""Pipeline reference for scband-gnn-46505905881850 (READ-ONLY COPY).

The authoritative reference and input builder live on the scoring server;
editing this copy changes nothing except your own understanding.
"""

import jax, jax.numpy as jnp
import numpy as np

N_NODES = 10000
D_FEAT = 256
HIDDEN = 256
N_CLASSES = 32
N_EDGES = 160000


def gcn_conv(x, edge_index, W, b, num_nodes):
    # PyG GCNConv: add self-loops, symmetric normalization D^-1/2 (A+I) D^-1/2 X W + b
    src = edge_index[0]
    dst = edge_index[1]
    loop = jnp.arange(num_nodes, dtype=src.dtype)
    src = jnp.concatenate([src, loop])
    dst = jnp.concatenate([dst, loop])
    deg = jnp.zeros((num_nodes,), dtype=x.dtype).at[dst].add(1.0)
    dinv = jnp.where(deg > 0, deg ** -0.5, 0.0)
    norm = dinv[src] * dinv[dst]
    xw = x @ W
    msg = xw[src] * norm[:, None]
    out = jax.ops.segment_sum(msg, dst, num_segments=num_nodes)
    return out + b


def setup_inputs(seed: int = 0) -> dict:
    key = jax.random.key(seed)
    ks = jax.random.split(key, 8)
    x = jax.random.normal(ks[0], (N_NODES, D_FEAT), dtype=jnp.float32)
    edge_index = jax.random.randint(ks[1], (2, N_EDGES), 0, N_NODES, dtype=jnp.int64)
    W1 = jax.random.normal(ks[2], (D_FEAT, HIDDEN), dtype=jnp.float32) * (1.0 / np.sqrt(D_FEAT))
    b1 = jnp.zeros((HIDDEN,), dtype=jnp.float32)
    W2 = jax.random.normal(ks[3], (HIDDEN, HIDDEN), dtype=jnp.float32) * (1.0 / np.sqrt(HIDDEN))
    b2 = jnp.zeros((HIDDEN,), dtype=jnp.float32)
    Wout = jax.random.normal(ks[4], (HIDDEN, N_CLASSES), dtype=jnp.float32) * (1.0 / np.sqrt(HIDDEN))
    bout = jnp.zeros((N_CLASSES,), dtype=jnp.float32)
    return {"x": x, "edge_index": edge_index, "W1": W1, "b1": b1, "W2": W2, "b2": b2, "Wout": Wout, "bout": bout}


def reference(x, edge_index, W1, b1, W2, b2, Wout, bout):
    num_nodes = x.shape[0]
    h = gcn_conv(x, edge_index, W1, b1, num_nodes)
    h = jax.nn.relu(h)
    # dropout p=0.5 -> identity in eval mode
    h = gcn_conv(h, edge_index, W2, b2, num_nodes)
    h = jax.nn.relu(h)
    # dropout p=0.4 -> identity in eval mode
    logits = h @ Wout + bout
    return jax.nn.log_softmax(logits, axis=1)

if __name__ == "__main__":
    import jax
    _d = setup_inputs()
    print(jax.jit(kernel)(*tuple(_d.values())))

</pallas_src>

<mosaic_0001>
#map = affine_map<(d0, d1) -> (0, 0)>
module attributes {stable_mosaic.version = 14 : i64} {
  func.func @_hist_body(%arg0: i32, %arg1: i32, %arg2: memref<2560x128xi32, #tpu.memory_space<hbm>>, %arg3: memref<128x128xf32, #tpu.memory_space<hbm>>, %arg4: memref<328x128xf32, #tpu.memory_space<hbm>>, %arg5: memref<10240x128xf32, #tpu.memory_space<hbm>>, %arg6: memref<80x128xi32, #tpu.memory_space<vmem>>, %arg7: memref<128x128xf32, #tpu.memory_space<vmem>>, %arg8: memref<5248x128xf32, #tpu.memory_space<vmem_shared>>, %arg9: memref<!tpu.dma_semaphore, #tpu.memory_space<semaphore_mem>>) attributes {dimension_semantics = [#tpu.dimension_semantics<core_parallel>, #tpu.dimension_semantics<subcore_parallel>], iteration_bounds = array<i64: 2, 16>, scalar_prefetch = 0 : i64, scratch_operands = 4 : i64, tpu.core_type = #tpu.core_type<sc_vector_subcore>, window_params = [{transform_indices = #map}, {transform_indices = #map}, {transform_indices = #map}, {transform_indices = #map}]} {
    %mul3A = arith.constant 1280 : i32
    %mul3A_0 = arith.muli %arg0, %mul3A : i32
    %mul3A_1 = arith.constant 80 : i32
    %mul3A_2 = arith.muli %arg1, %mul3A_1 : i32
    %add3A = arith.addi %mul3A_0, %mul3A_2 : i32
    "tpu.region"() ({
      %run_scoped3A = tpu.sem_alloc : memref<!tpu.dma_semaphore, #tpu.memory_space<semaphore_mem>>
      %dma_start3A = arith.constant 0 : i32
      %dma_start3A_22 = tpu.memref_slice %arg2[%add3A, %dma_start3A] : memref<2560x128xi32, #tpu.memory_space<hbm>> -> memref<80x128xi32, #tpu.memory_space<hbm>>
      %dma_start3A_23 = arith.constant 0 : i32
      %dma_start3A_24 = tpu.memref_slice %arg2[%add3A, %dma_start3A_23] : memref<2560x128xi32, #tpu.memory_space<hbm>> -> memref<80x128xi32, #tpu.memory_space<hbm>>
      tpu.enqueue_dma source(%dma_start3A_24 : memref<80x128xi32, #tpu.memory_space<hbm>>) target(%arg6 : memref<80x128xi32, #tpu.memory_space<vmem>>) target_semaphore(%run_scoped3A : memref<!tpu.dma_semaphore, #tpu.memory_space<semaphore_mem>>)
      %dma_wait3A = arith.constant 0 : i32
      %dma_wait3A_25 = tpu.memref_slice %arg2[%add3A, %dma_wait3A] : memref<2560x128xi32, #tpu.memory_space<hbm>> -> memref<80x128xi32, #tpu.memory_space<hbm>>
      %dma_wait3A_26 = arith.constant 0 : i32
      %dma_wait3A_27 = tpu.memref_slice %arg2[%add3A, %dma_wait3A_26] : memref<2560x128xi32, #tpu.memory_space<hbm>> -> memref<80x128xi32, #tpu.memory_space<hbm>>
      tpu.wait_dma2 semaphore(%run_scoped3A : memref<!tpu.dma_semaphore, #tpu.memory_space<semaphore_mem>>) src(%dma_wait3A_27 : memref<80x128xi32, #tpu.memory_space<hbm>>) dst(%arg6 : memref<80x128xi32, #tpu.memory_space<vmem>>)
      tpu.yield
    }) : () -> ()
    "tpu.region"() ({
      %run_scoped3A = tpu.sem_alloc : memref<!tpu.dma_semaphore, #tpu.memory_space<semaphore_mem>>
      tpu.enqueue_dma source(%arg3 : memref<128x128xf32, #tpu.memory_space<hbm>>) target(%arg7 : memref<128x128xf32, #tpu.memory_space<vmem>>) target_semaphore(%run_scoped3A : memref<!tpu.dma_semaphore, #tpu.memory_space<semaphore_mem>>)
      tpu.wait_dma2 semaphore(%run_scoped3A : memref<!tpu.dma_semaphore, #tpu.memory_space<semaphore_mem>>) src(%arg3 : memref<128x128xf32, #tpu.memory_space<hbm>>) dst(%arg7 : memref<128x128xf32, #tpu.memory_space<vmem>>)
      tpu.yield
    }) : () -> ()
    %mul3A_3 = arith.constant 328 : i32
    %mul3A_4 = arith.muli %arg1, %mul3A_3 : i32
    "tpu.region"() ({
      %run_scoped3A = tpu.sem_alloc : memref<!tpu.dma_semaphore, #tpu.memory_space<semaphore_mem>>
      %dma_start3A = arith.constant 0 : i32
      %dma_start3A_22 = tpu.memref_slice %arg8[%mul3A_4, %dma_start3A] : memref<5248x128xf32, #tpu.memory_space<vmem_shared>> -> memref<328x128xf32, #tpu.memory_space<vmem_shared>>
      tpu.enqueue_dma source(%arg4 : memref<328x128xf32, #tpu.memory_space<hbm>>) target(%dma_start3A_22 : memref<328x128xf32, #tpu.memory_space<vmem_shared>>) target_semaphore(%run_scoped3A : memref<!tpu.dma_semaphore, #tpu.memory_space<semaphore_mem>>)
      %dma_wait3A = arith.constant 0 : i32
      %dma_wait3A_23 = tpu.memref_slice %arg8[%mul3A_4, %dma_wait3A] : memref<5248x128xf32, #tpu.memory_space<vmem_shared>> -> memref<328x128xf32, #tpu.memory_space<vmem_shared>>
      tpu.wait_dma2 semaphore(%run_scoped3A : memref<!tpu.dma_semaphore, #tpu.memory_space<semaphore_mem>>) src(%arg4 : memref<328x128xf32, #tpu.memory_space<hbm>>) dst(%dma_wait3A_23 : memref<328x128xf32, #tpu.memory_space<vmem_shared>>)
      tpu.yield
    }) : () -> ()
    %barrier3A = arith.constant 0 : index
    tpu.barrier barrier_id(%barrier3A)
    %scan3A = arith.constant 0 : i32
    %scan3A_5 = arith.constant 80 : i32
    %scan3A_6 = arith.addi %scan3A, %scan3A_5 : i32
    %scan3A_7 = arith.constant 1 : i32
    scf.for %scan3A_22 = %scan3A to %scan3A_6 step %scan3A_7  : i32 {
      %mul3A_23 = arith.constant 1 : i32
      %mul3A_24 = arith.muli %scan3A_22, %mul3A_23 : i32
      %add3A_25 = arith.constant 0 : i32
      %add3A_26 = arith.addi %add3A_25, %mul3A_24 : i32
      %ge3A = arith.constant 8 : i32
      %ge3A_27 = arith.cmpi sge, %add3A_26, %ge3A : i32
      %convert_element_type3A = arith.extui %ge3A_27 : i1 to i32
      %cond3A = arith.constant 0 : i32
      %cond3A_28 = arith.cmpi ne, %convert_element_type3A, %cond3A : i32
      scf.if %cond3A_28 {
        tpu.wait_dma2 semaphore(%arg9 : memref<!tpu.dma_semaphore, #tpu.memory_space<semaphore_mem>>) src(%arg3 : memref<128x128xf32, #tpu.memory_space<hbm>>) dst(%arg7 : memref<128x128xf32, #tpu.memory_space<vmem>>)
      } else {
      }
      %dma_start3A = arith.constant 0 : i32
      %dma_start3A_29 = tpu.memref_slice %arg6[%add3A_26, %dma_start3A] : memref<80x128xi32, #tpu.memory_space<vmem>> -> memref<1x128xi32, #tpu.memory_space<vmem>>
      %dma_start3A_30 = tpu.memref_squeeze %dma_start3A_29 : memref<1x128xi32, #tpu.memory_space<vmem>> -> memref<128xi32, #tpu.memory_space<vmem>>
      %dma_start3A_31 = arith.constant 0 : i32
      %dma_start3A_32 = arith.constant 0 : i32
      %dma_start3A_33 = tpu.memref_slice %arg8[%dma_start3A_31, %dma_start3A_32] : memref<5248x128xf32, #tpu.memory_space<vmem_shared>> -> memref<5248x128xf32, #tpu.memory_space<vmem_shared>>
      tpu.enqueue_indirect_dma source(%arg7 : memref<128x128xf32, #tpu.memory_space<vmem>>) target(%dma_start3A_33 : memref<5248x128xf32, #tpu.memory_space<vmem_shared>>) offsets(%dma_start3A_30 : memref<128xi32, #tpu.memory_space<vmem>>) semaphore(%arg9 : memref<!tpu.dma_semaphore, #tpu.memory_space<semaphore_mem>>) {add = true}
    }
    %scan3A_8 = arith.constant 80 : i32
    %scan3A_9 = arith.constant 0 : i32
    %scan3A_10 = arith.constant 8 : i32
    %scan3A_11 = arith.addi %scan3A_9, %scan3A_10 : i32
    %scan3A_12 = arith.constant 1 : i32
    scf.for %scan3A_22 = %scan3A_9 to %scan3A_11 step %scan3A_12  : i32 {
      %mul3A_23 = arith.constant 1 : i32
      %mul3A_24 = arith.muli %scan3A_22, %mul3A_23 : i32
      %add3A_25 = arith.constant 0 : i32
      %add3A_26 = arith.addi %add3A_25, %mul3A_24 : i32
      tpu.wait_dma2 semaphore(%arg9 : memref<!tpu.dma_semaphore, #tpu.memory_space<semaphore_mem>>) src(%arg3 : memref<128x128xf32, #tpu.memory_space<hbm>>) dst(%arg7 : memref<128x128xf32, #tpu.memory_space<vmem>>)
    }
    %scan3A_13 = arith.constant 8 : i32
    %barrier3A_14 = arith.constant 0 : index
    tpu.barrier barrier_id(%barrier3A_14)
    %mul3A_15 = arith.constant 320 : i32
    %mul3A_16 = arith.muli %arg1, %mul3A_15 : i32
    %mul3A_17 = arith.constant 5120 : i32
    %mul3A_18 = arith.muli %arg0, %mul3A_17 : i32
    %mul3A_19 = arith.constant 320 : i32
    %mul3A_20 = arith.muli %arg1, %mul3A_19 : i32
    %add3A_21 = arith.addi %mul3A_18, %mul3A_20 : i32
    "tpu.region"() ({
      %run_scoped3A = tpu.sem_alloc : memref<!tpu.dma_semaphore, #tpu.memory_space<semaphore_mem>>
      %dma_start3A = arith.constant 0 : i32
      %dma_start3A_22 = tpu.memref_slice %arg5[%add3A_21, %dma_start3A] : memref<10240x128xf32, #tpu.memory_space<hbm>> -> memref<320x128xf32, #tpu.memory_space<hbm>>
      %dma_start3A_23 = arith.constant 0 : i32
      %dma_start3A_24 = tpu.memref_slice %arg8[%mul3A_16, %dma_start3A_23] : memref<5248x128xf32, #tpu.memory_space<vmem_shared>> -> memref<320x128xf32, #tpu.memory_space<vmem_shared>>
      tpu.enqueue_dma source(%dma_start3A_24 : memref<320x128xf32, #tpu.memory_space<vmem_shared>>) target(%dma_start3A_22 : memref<320x128xf32, #tpu.memory_space<hbm>>) target_semaphore(%run_scoped3A : memref<!tpu.dma_semaphore, #tpu.memory_space<semaphore_mem>>)
      %dma_wait3A = arith.constant 0 : i32
      %dma_wait3A_25 = tpu.memref_slice %arg5[%add3A_21, %dma_wait3A] : memref<10240x128xf32, #tpu.memory_space<hbm>> -> memref<320x128xf32, #tpu.memory_space<hbm>>
      %dma_wait3A_26 = arith.constant 0 : i32
      %dma_wait3A_27 = tpu.memref_slice %arg8[%mul3A_16, %dma_wait3A_26] : memref<5248x128xf32, #tpu.memory_space<vmem_shared>> -> memref<320x128xf32, #tpu.memory_space<vmem_shared>>
      tpu.wait_dma2 semaphore(%run_scoped3A : memref<!tpu.dma_semaphore, #tpu.memory_space<semaphore_mem>>) src(%dma_wait3A_27 : memref<320x128xf32, #tpu.memory_space<vmem_shared>>) dst(%dma_wait3A_25 : memref<320x128xf32, #tpu.memory_space<hbm>>)
      tpu.yield
    }) : () -> ()
    return
  }
}

#map = affine_map<(d0, d1) -> (0, 0)>
module attributes {stable_mosaic.version = 14 : i64} {
  func.func @_scatter_body(%arg0: i32, %arg1: i32, %arg2: memref<20000x128xf32, #tpu.memory_space<hbm>>, %arg3: memref<2560x128xi32, #tpu.memory_space<hbm>>, %arg4: memref<1280x128xi32, #tpu.memory_space<hbm>>, %arg5: memref<640x128xf32, #tpu.memory_space<hbm>>, %arg6: memref<20480x128xf32, #tpu.memory_space<hbm>>, %arg7: memref<80x128xi32, #tpu.memory_space<vmem>>, %arg8: memref<80x128xi32, #tpu.memory_space<vmem>>, %arg9: memref<128x128xf32, #tpu.memory_space<vmem>>, %arg10: memref<10240x128xf32, #tpu.memory_space<vmem_shared>>) attributes {dimension_semantics = [#tpu.dimension_semantics<core_parallel>, #tpu.dimension_semantics<subcore_parallel>], iteration_bounds = array<i64: 2, 16>, scalar_prefetch = 0 : i64, scratch_operands = 4 : i64, tpu.core_type = #tpu.core_type<sc_vector_subcore>, window_params = [{transform_indices = #map}, {transform_indices = #map}, {transform_indices = #map}, {transform_indices = #map}, {transform_indices = #map}]} {
    %mul3A = arith.constant 1280 : i32
    %mul3A_0 = arith.muli %arg0, %mul3A : i32
    %mul3A_1 = arith.constant 80 : i32
    %mul3A_2 = arith.muli %arg1, %mul3A_1 : i32
    %add3A = arith.addi %mul3A_0, %mul3A_2 : i32
    "tpu.region"() ({
      %run_scoped3A = tpu.sem_alloc : memref<!tpu.dma_semaphore, #tpu.memory_space<semaphore_mem>>
      %dma_start3A = arith.constant 0 : i32
      %dma_start3A_19 = tpu.memref_slice %arg3[%add3A, %dma_start3A] : memref<2560x128xi32, #tpu.memory_space<hbm>> -> memref<80x128xi32, #tpu.memory_space<hbm>>
      %dma_start3A_20 = arith.constant 0 : i32
      %dma_start3A_21 = tpu.memref_slice %arg3[%add3A, %dma_start3A_20] : memref<2560x128xi32, #tpu.memory_space<hbm>> -> memref<80x128xi32, #tpu.memory_space<hbm>>
      tpu.enqueue_dma source(%dma_start3A_21 : memref<80x128xi32, #tpu.memory_space<hbm>>) target(%arg7 : memref<80x128xi32, #tpu.memory_space<vmem>>) target_semaphore(%run_scoped3A : memref<!tpu.dma_semaphore, #tpu.memory_space<semaphore_mem>>)
      %dma_wait3A = arith.constant 0 : i32
      %dma_wait3A_22 = tpu.memref_slice %arg3[%add3A, %dma_wait3A] : memref<2560x128xi32, #tpu.memory_space<hbm>> -> memref<80x128xi32, #tpu.memory_space<hbm>>
      %dma_wait3A_23 = arith.constant 0 : i32
      %dma_wait3A_24 = tpu.memref_slice %arg3[%add3A, %dma_wait3A_23] : memref<2560x128xi32, #tpu.memory_space<hbm>> -> memref<80x128xi32, #tpu.memory_space<hbm>>
      tpu.wait_dma2 semaphore(%run_scoped3A : memref<!tpu.dma_semaphore, #tpu.memory_space<semaphore_mem>>) src(%dma_wait3A_24 : memref<80x128xi32, #tpu.memory_space<hbm>>) dst(%arg7 : memref<80x128xi32, #tpu.memory_space<vmem>>)
      tpu.yield
    }) : () -> ()
    %mul3A_3 = arith.constant 80 : i32
    %mul3A_4 = arith.muli %arg1, %mul3A_3 : i32
    "tpu.region"() ({
      %run_scoped3A = tpu.sem_alloc : memref<!tpu.dma_semaphore, #tpu.memory_space<semaphore_mem>>
      %dma_start3A = arith.constant 0 : i32
      %dma_start3A_19 = tpu.memref_slice %arg4[%mul3A_4, %dma_start3A] : memref<1280x128xi32, #tpu.memory_space<hbm>> -> memref<80x128xi32, #tpu.memory_space<hbm>>
      %dma_start3A_20 = arith.constant 0 : i32
      %dma_start3A_21 = tpu.memref_slice %arg4[%mul3A_4, %dma_start3A_20] : memref<1280x128xi32, #tpu.memory_space<hbm>> -> memref<80x128xi32, #tpu.memory_space<hbm>>
      tpu.enqueue_dma source(%dma_start3A_21 : memref<80x128xi32, #tpu.memory_space<hbm>>) target(%arg8 : memref<80x128xi32, #tpu.memory_space<vmem>>) target_semaphore(%run_scoped3A : memref<!tpu.dma_semaphore, #tpu.memory_space<semaphore_mem>>)
      %dma_wait3A = arith.constant 0 : i32
      %dma_wait3A_22 = tpu.memref_slice %arg4[%mul3A_4, %dma_wait3A] : memref<1280x128xi32, #tpu.memory_space<hbm>> -> memref<80x128xi32, #tpu.memory_space<hbm>>
      %dma_wait3A_23 = arith.constant 0 : i32
      %dma_wait3A_24 = tpu.memref_slice %arg4[%mul3A_4, %dma_wait3A_23] : memref<1280x128xi32, #tpu.memory_space<hbm>> -> memref<80x128xi32, #tpu.memory_space<hbm>>
      tpu.wait_dma2 semaphore(%run_scoped3A : memref<!tpu.dma_semaphore, #tpu.memory_space<semaphore_mem>>) src(%dma_wait3A_24 : memref<80x128xi32, #tpu.memory_space<hbm>>) dst(%arg8 : memref<80x128xi32, #tpu.memory_space<vmem>>)
      tpu.yield
    }) : () -> ()
    %mul3A_5 = arith.constant 640 : i32
    %mul3A_6 = arith.muli %arg1, %mul3A_5 : i32
    "tpu.region"() ({
      %run_scoped3A = tpu.sem_alloc : memref<!tpu.dma_semaphore, #tpu.memory_space<semaphore_mem>>
      %dma_start3A = arith.constant 0 : i32
      %dma_start3A_19 = tpu.memref_slice %arg10[%mul3A_6, %dma_start3A] : memref<10240x128xf32, #tpu.memory_space<vmem_shared>> -> memref<640x128xf32, #tpu.memory_space<vmem_shared>>
      tpu.enqueue_dma source(%arg5 : memref<640x128xf32, #tpu.memory_space<hbm>>) target(%dma_start3A_19 : memref<640x128xf32, #tpu.memory_space<vmem_shared>>) target_semaphore(%run_scoped3A : memref<!tpu.dma_semaphore, #tpu.memory_space<semaphore_mem>>)
      %dma_wait3A = arith.constant 0 : i32
      %dma_wait3A_20 = tpu.memref_slice %arg10[%mul3A_6, %dma_wait3A] : memref<10240x128xf32, #tpu.memory_space<vmem_shared>> -> memref<640x128xf32, #tpu.memory_space<vmem_shared>>
      tpu.wait_dma2 semaphore(%run_scoped3A : memref<!tpu.dma_semaphore, #tpu.memory_space<semaphore_mem>>) src(%arg5 : memref<640x128xf32, #tpu.memory_space<hbm>>) dst(%dma_wait3A_20 : memref<640x128xf32, #tpu.memory_space<vmem_shared>>)
      tpu.yield
    }) : () -> ()
    %barrier3A = arith.constant 0 : index
    tpu.barrier barrier_id(%barrier3A)
    %scan3A = arith.constant 0 : i32
    %scan3A_7 = arith.constant 80 : i32
    %scan3A_8 = arith.addi %scan3A, %scan3A_7 : i32
    %scan3A_9 = arith.constant 1 : i32
    scf.for %scan3A_19 = %scan3A to %scan3A_8 step %scan3A_9  : i32 {
      %mul3A_20 = arith.constant 1 : i32
      %mul3A_21 = arith.muli %scan3A_19, %mul3A_20 : i32
      %add3A_22 = arith.constant 0 : i32
      %add3A_23 = arith.addi %add3A_22, %mul3A_21 : i32
      "tpu.region"() ({
        %run_scoped3A = tpu.sem_alloc : memref<!tpu.dma_semaphore, #tpu.memory_space<semaphore_mem>>
        %dma_start3A = arith.constant 0 : i32
        %dma_start3A_24 = tpu.memref_slice %arg7[%add3A_23, %dma_start3A] : memref<80x128xi32, #tpu.memory_space<vmem>> -> memref<1x128xi32, #tpu.memory_space<vmem>>
        %dma_start3A_25 = tpu.memref_squeeze %dma_start3A_24 : memref<1x128xi32, #tpu.memory_space<vmem>> -> memref<128xi32, #tpu.memory_space<vmem>>
        %dma_start3A_26 = arith.constant 0 : i32
        %dma_start3A_27 = arith.constant 0 : i32
        %dma_start3A_28 = tpu.memref_slice %arg2[%dma_start3A_26, %dma_start3A_27] : memref<20000x128xf32, #tpu.memory_space<hbm>> -> memref<20000x128xf32, #tpu.memory_space<hbm>>
        tpu.enqueue_indirect_dma source(%dma_start3A_28 : memref<20000x128xf32, #tpu.memory_space<hbm>>) target(%arg9 : memref<128x128xf32, #tpu.memory_space<vmem>>) offsets(%dma_start3A_25 : memref<128xi32, #tpu.memory_space<vmem>>) semaphore(%run_scoped3A : memref<!tpu.dma_semaphore, #tpu.memory_space<semaphore_mem>>)
        %dma_wait3A = arith.constant 0 : i32
        %dma_wait3A_29 = tpu.memref_slice %arg7[%add3A_23, %dma_wait3A] : memref<80x128xi32, #tpu.memory_space<vmem>> -> memref<1x128xi32, #tpu.memory_space<vmem>>
        %dma_wait3A_30 = tpu.memref_squeeze %dma_wait3A_29 : memref<1x128xi32, #tpu.memory_space<vmem>> -> memref<128xi32, #tpu.memory_space<vmem>>
        %dma_wait3A_31 = arith.constant 0 : i32
        %dma_wait3A_32 = arith.constant 0 : i32
        %dma_wait3A_33 = tpu.memref_slice %arg2[%dma_wait3A_31, %dma_wait3A_32] : memref<20000x128xf32, #tpu.memory_space<hbm>> -> memref<20000x128xf32, #tpu.memory_space<hbm>>
        tpu.wait_indirect_dma semaphore(%run_scoped3A : memref<!tpu.dma_semaphore, #tpu.memory_space<semaphore_mem>>) src(%dma_wait3A_33 : memref<20000x128xf32, #tpu.memory_space<hbm>>) dst(%arg9 : memref<128x128xf32, #tpu.memory_space<vmem>>)
        tpu.yield
      }) : () -> ()
      "tpu.region"() ({
        %run_scoped3A = tpu.sem_alloc : memref<!tpu.dma_semaphore, #tpu.memory_space<semaphore_mem>>
        %dma_start3A = arith.constant 0 : i32
        %dma_start3A_24 = tpu.memref_slice %arg8[%add3A_23, %dma_start3A] : memref<80x128xi32, #tpu.memory_space<vmem>> -> memref<1x128xi32, #tpu.memory_space<vmem>>
        %dma_start3A_25 = tpu.memref_squeeze %dma_start3A_24 : memref<1x128xi32, #tpu.memory_space<vmem>> -> memref<128xi32, #tpu.memory_space<vmem>>
        %dma_start3A_26 = arith.constant 0 : i32
        %dma_start3A_27 = arith.constant 0 : i32
        %dma_start3A_28 = tpu.memref_slice %arg10[%dma_start3A_26, %dma_start3A_27] : memref<10240x128xf32, #tpu.memory_space<vmem_shared>> -> memref<10240x128xf32, #tpu.memory_space<vmem_shared>>
        tpu.enqueue_indirect_dma source(%arg9 : memref<128x128xf32, #tpu.memory_space<vmem>>) target(%dma_start3A_28 : memref<10240x128xf32, #tpu.memory_space<vmem_shared>>) offsets(%dma_start3A_25 : memref<128xi32, #tpu.memory_space<vmem>>) semaphore(%run_scoped3A : memref<!tpu.dma_semaphore, #tpu.memory_space<semaphore_mem>>) {add = true}
        %dma_wait3A = arith.constant 0 : i32
        %dma_wait3A_29 = tpu.memref_slice %arg8[%add3A_23, %dma_wait3A] : memref<80x128xi32, #tpu.memory_space<vmem>> -> memref<1x128xi32, #tpu.memory_space<vmem>>
        %dma_wait3A_30 = tpu.memref_squeeze %dma_wait3A_29 : memref<1x128xi32, #tpu.memory_space<vmem>> -> memref<128xi32, #tpu.memory_space<vmem>>
        %dma_wait3A_31 = arith.constant 0 : i32
        %dma_wait3A_32 = arith.constant 0 : i32
        %dma_wait3A_33 = tpu.memref_slice %arg10[%dma_wait3A_31, %dma_wait3A_32] : memref<10240x128xf32, #tpu.memory_space<vmem_shared>> -> memref<10240x128xf32, #tpu.memory_space<vmem_shared>>
        tpu.wait_indirect_dma semaphore(%run_scoped3A : memref<!tpu.dma_semaphore, #tpu.memory_space<semaphore_mem>>) src(%arg9 : memref<128x128xf32, #tpu.memory_space<vmem>>) dst(%dma_wait3A_33 : memref<10240x128xf32, #tpu.memory_space<vmem_shared>>)
        tpu.yield
      }) : () -> ()
    }
    %scan3A_10 = arith.constant 80 : i32
    %barrier3A_11 = arith.constant 0 : index
    tpu.barrier barrier_id(%barrier3A_11)
    %mul3A_12 = arith.constant 640 : i32
    %mul3A_13 = arith.muli %arg1, %mul3A_12 : i32
    %mul3A_14 = arith.constant 10240 : i32
    %mul3A_15 = arith.muli %arg0, %mul3A_14 : i32
    %mul3A_16 = arith.constant 640 : i32
    %mul3A_17 = arith.muli %arg1, %mul3A_16 : i32
    %add3A_18 = arith.addi %mul3A_15, %mul3A_17 : i32
    "tpu.region"() ({
      %run_scoped3A = tpu.sem_alloc : memref<!tpu.dma_semaphore, #tpu.memory_space<semaphore_mem>>
      %dma_start3A = arith.constant 0 : i32
      %dma_start3A_19 = tpu.memref_slice %arg6[%add3A_18, %dma_start3A] : memref<20480x128xf32, #tpu.memory_space<hbm>> -> memref<640x128xf32, #tpu.memory_space<hbm>>
      %dma_start3A_20 = arith.constant 0 : i32
      %dma_start3A_21 = tpu.memref_slice %arg10[%mul3A_13, %dma_start3A_20] : memref<10240x128xf32, #tpu.memory_space<vmem_shared>> -> memref<640x128xf32, #tpu.memory_space<vmem_shared>>
      tpu.enqueue_dma source(%dma_start3A_21 : memref<640x128xf32, #tpu.memory_space<vmem_shared>>) target(%dma_start3A_19 : memref<640x128xf32, #tpu.memory_space<hbm>>) target_semaphore(%run_scoped3A : memref<!tpu.dma_semaphore, #tpu.memory_space<semaphore_mem>>)
      %dma_wait3A = arith.constant 0 : i32
      %dma_wait3A_22 = tpu.memref_slice %arg6[%add3A_18, %dma_wait3A] : memref<20480x128xf32, #tpu.memory_space<hbm>> -> memref<640x128xf32, #tpu.memory_space<hbm>>
      %dma_wait3A_23 = arith.constant 0 : i32
      %dma_wait3A_24 = tpu.memref_slice %arg10[%mul3A_13, %dma_wait3A_23] : memref<10240x128xf32, #tpu.memory_space<vmem_shared>> -> memref<640x128xf32, #tpu.memory_space<vmem_shared>>
      tpu.wait_dma2 semaphore(%run_scoped3A : memref<!tpu.dma_semaphore, #tpu.memory_space<semaphore_mem>>) src(%dma_wait3A_24 : memref<640x128xf32, #tpu.memory_space<vmem_shared>>) dst(%dma_wait3A_22 : memref<640x128xf32, #tpu.memory_space<hbm>>)
      tpu.yield
    }) : () -> ()
    return
  }
}

#map = affine_map<(d0, d1) -> (0, 0)>
module attributes {stable_mosaic.version = 14 : i64} {
  func.func @_scatter_body(%arg0: i32, %arg1: i32, %arg2: memref<20000x128xf32, #tpu.memory_space<hbm>>, %arg3: memref<2560x128xi32, #tpu.memory_space<hbm>>, %arg4: memref<1280x128xi32, #tpu.memory_space<hbm>>, %arg5: memref<640x128xf32, #tpu.memory_space<hbm>>, %arg6: memref<20480x128xf32, #tpu.memory_space<hbm>>, %arg7: memref<80x128xi32, #tpu.memory_space<vmem>>, %arg8: memref<80x128xi32, #tpu.memory_space<vmem>>, %arg9: memref<128x128xf32, #tpu.memory_space<vmem>>, %arg10: memref<10240x128xf32, #tpu.memory_space<vmem_shared>>) attributes {dimension_semantics = [#tpu.dimension_semantics<core_parallel>, #tpu.dimension_semantics<subcore_parallel>], iteration_bounds = array<i64: 2, 16>, scalar_prefetch = 0 : i64, scratch_operands = 4 : i64, tpu.core_type = #tpu.core_type<sc_vector_subcore>, window_params = [{transform_indices = #map}, {transform_indices = #map}, {transform_indices = #map}, {transform_indices = #map}, {transform_indices = #map}]} {
    %mul3A = arith.constant 1280 : i32
    %mul3A_0 = arith.muli %arg0, %mul3A : i32
    %mul3A_1 = arith.constant 80 : i32
    %mul3A_2 = arith.muli %arg1, %mul3A_1 : i32
    %add3A = arith.addi %mul3A_0, %mul3A_2 : i32
    "tpu.region"() ({
      %run_scoped3A = tpu.sem_alloc : memref<!tpu.dma_semaphore, #tpu.memory_space<semaphore_mem>>
      %dma_start3A = arith.constant 0 : i32
      %dma_start3A_19 = tpu.memref_slice %arg3[%add3A, %dma_start3A] : memref<2560x128xi32, #tpu.memory_space<hbm>> -> memref<80x128xi32, #tpu.memory_space<hbm>>
      %dma_start3A_20 = arith.constant 0 : i32
      %dma_start3A_21 = tpu.memref_slice %arg3[%add3A, %dma_start3A_20] : memref<2560x128xi32, #tpu.memory_space<hbm>> -> memref<80x128xi32, #tpu.memory_space<hbm>>
      tpu.enqueue_dma source(%dma_start3A_21 : memref<80x128xi32, #tpu.memory_space<hbm>>) target(%arg7 : memref<80x128xi32, #tpu.memory_space<vmem>>) target_semaphore(%run_scoped3A : memref<!tpu.dma_semaphore, #tpu.memory_space<semaphore_mem>>)
      %dma_wait3A = arith.constant 0 : i32
      %dma_wait3A_22 = tpu.memref_slice %arg3[%add3A, %dma_wait3A] : memref<2560x128xi32, #tpu.memory_space<hbm>> -> memref<80x128xi32, #tpu.memory_space<hbm>>
      %dma_wait3A_23 = arith.constant 0 : i32
      %dma_wait3A_24 = tpu.memref_slice %arg3[%add3A, %dma_wait3A_23] : memref<2560x128xi32, #tpu.memory_space<hbm>> -> memref<80x128xi32, #tpu.memory_space<hbm>>
      tpu.wait_dma2 semaphore(%run_scoped3A : memref<!tpu.dma_semaphore, #tpu.memory_space<semaphore_mem>>) src(%dma_wait3A_24 : memref<80x128xi32, #tpu.memory_space<hbm>>) dst(%arg7 : memref<80x128xi32, #tpu.memory_space<vmem>>)
      tpu.yield
    }) : () -> ()
    %mul3A_3 = arith.constant 80 : i32
    %mul3A_4 = arith.muli %arg1, %mul3A_3 : i32
    "tpu.region"() ({
      %run_scoped3A = tpu.sem_alloc : memref<!tpu.dma_semaphore, #tpu.memory_space<semaphore_mem>>
      %dma_start3A = arith.constant 0 : i32
      %dma_start3A_19 = tpu.memref_slice %arg4[%mul3A_4, %dma_start3A] : memref<1280x128xi32, #tpu.memory_space<hbm>> -> memref<80x128xi32, #tpu.memory_space<hbm>>
      %dma_start3A_20 = arith.constant 0 : i32
      %dma_start3A_21 = tpu.memref_slice %arg4[%mul3A_4, %dma_start3A_20] : memref<1280x128xi32, #tpu.memory_space<hbm>> -> memref<80x128xi32, #tpu.memory_space<hbm>>
      tpu.enqueue_dma source(%dma_start3A_21 : memref<80x128xi32, #tpu.memory_space<hbm>>) target(%arg8 : memref<80x128xi32, #tpu.memory_space<vmem>>) target_semaphore(%run_scoped3A : memref<!tpu.dma_semaphore, #tpu.memory_space<semaphore_mem>>)
      %dma_wait3A = arith.constant 0 : i32
      %dma_wait3A_22 = tpu.memref_slice %arg4[%mul3A_4, %dma_wait3A] : memref<1280x128xi32, #tpu.memory_space<hbm>> -> memref<80x128xi32, #tpu.memory_space<hbm>>
      %dma_wait3A_23 = arith.constant 0 : i32
      %dma_wait3A_24 = tpu.memref_slice %arg4[%mul3A_4, %dma_wait3A_23] : memref<1280x128xi32, #tpu.memory_space<hbm>> -> memref<80x128xi32, #tpu.memory_space<hbm>>
      tpu.wait_dma2 semaphore(%run_scoped3A : memref<!tpu.dma_semaphore, #tpu.memory_space<semaphore_mem>>) src(%dma_wait3A_24 : memref<80x128xi32, #tpu.memory_space<hbm>>) dst(%arg8 : memref<80x128xi32, #tpu.memory_space<vmem>>)
      tpu.yield
    }) : () -> ()
    %mul3A_5 = arith.constant 640 : i32
    %mul3A_6 = arith.muli %arg1, %mul3A_5 : i32
    "tpu.region"() ({
      %run_scoped3A = tpu.sem_alloc : memref<!tpu.dma_semaphore, #tpu.memory_space<semaphore_mem>>
      %dma_start3A = arith.constant 0 : i32
      %dma_start3A_19 = tpu.memref_slice %arg10[%mul3A_6, %dma_start3A] : memref<10240x128xf32, #tpu.memory_space<vmem_shared>> -> memref<640x128xf32, #tpu.memory_space<vmem_shared>>
      tpu.enqueue_dma source(%arg5 : memref<640x128xf32, #tpu.memory_space<hbm>>) target(%dma_start3A_19 : memref<640x128xf32, #tpu.memory_space<vmem_shared>>) target_semaphore(%run_scoped3A : memref<!tpu.dma_semaphore, #tpu.memory_space<semaphore_mem>>)
      %dma_wait3A = arith.constant 0 : i32
      %dma_wait3A_20 = tpu.memref_slice %arg10[%mul3A_6, %dma_wait3A] : memref<10240x128xf32, #tpu.memory_space<vmem_shared>> -> memref<640x128xf32, #tpu.memory_space<vmem_shared>>
      tpu.wait_dma2 semaphore(%run_scoped3A : memref<!tpu.dma_semaphore, #tpu.memory_space<semaphore_mem>>) src(%arg5 : memref<640x128xf32, #tpu.memory_space<hbm>>) dst(%dma_wait3A_20 : memref<640x128xf32, #tpu.memory_space<vmem_shared>>)
      tpu.yield
    }) : () -> ()
    %barrier3A = arith.constant 0 : index
    tpu.barrier barrier_id(%barrier3A)
    %scan3A = arith.constant 0 : i32
    %scan3A_7 = arith.constant 80 : i32
    %scan3A_8 = arith.addi %scan3A, %scan3A_7 : i32
    %scan3A_9 = arith.constant 1 : i32
    scf.for %scan3A_19 = %scan3A to %scan3A_8 step %scan3A_9  : i32 {
      %mul3A_20 = arith.constant 1 : i32
      %mul3A_21 = arith.muli %scan3A_19, %mul3A_20 : i32
      %add3A_22 = arith.constant 0 : i32
      %add3A_23 = arith.addi %add3A_22, %mul3A_21 : i32
      "tpu.region"() ({
        %run_scoped3A = tpu.sem_alloc : memref<!tpu.dma_semaphore, #tpu.memory_space<semaphore_mem>>
        %dma_start3A = arith.constant 0 : i32
        %dma_start3A_24 = tpu.memref_slice %arg7[%add3A_23, %dma_start3A] : memref<80x128xi32, #tpu.memory_space<vmem>> -> memref<1x128xi32, #tpu.memory_space<vmem>>
        %dma_start3A_25 = tpu.memref_squeeze %dma_start3A_24 : memref<1x128xi32, #tpu.memory_space<vmem>> -> memref<128xi32, #tpu.memory_space<vmem>>
        %dma_start3A_26 = arith.constant 0 : i32
        %dma_start3A_27 = arith.constant 0 : i32
        %dma_start3A_28 = tpu.memref_slice %arg2[%dma_start3A_26, %dma_start3A_27] : memref<20000x128xf32, #tpu.memory_space<hbm>> -> memref<20000x128xf32, #tpu.memory_space<hbm>>
        tpu.enqueue_indirect_dma source(%dma_start3A_28 : memref<20000x128xf32, #tpu.memory_space<hbm>>) target(%arg9 : memref<128x128xf32, #tpu.memory_space<vmem>>) offsets(%dma_start3A_25 : memref<128xi32, #tpu.memory_space<vmem>>) semaphore(%run_scoped3A : memref<!tpu.dma_semaphore, #tpu.memory_space<semaphore_mem>>)
        %dma_wait3A = arith.constant 0 : i32
        %dma_wait3A_29 = tpu.memref_slice %arg7[%add3A_23, %dma_wait3A] : memref<80x128xi32, #tpu.memory_space<vmem>> -> memref<1x128xi32, #tpu.memory_space<vmem>>
        %dma_wait3A_30 = tpu.memref_squeeze %dma_wait3A_29 : memref<1x128xi32, #tpu.memory_space<vmem>> -> memref<128xi32, #tpu.memory_space<vmem>>
        %dma_wait3A_31 = arith.constant 0 : i32
        %dma_wait3A_32 = arith.constant 0 : i32
        %dma_wait3A_33 = tpu.memref_slice %arg2[%dma_wait3A_31, %dma_wait3A_32] : memref<20000x128xf32, #tpu.memory_space<hbm>> -> memref<20000x128xf32, #tpu.memory_space<hbm>>
        tpu.wait_indirect_dma semaphore(%run_scoped3A : memref<!tpu.dma_semaphore, #tpu.memory_space<semaphore_mem>>) src(%dma_wait3A_33 : memref<20000x128xf32, #tpu.memory_space<hbm>>) dst(%arg9 : memref<128x128xf32, #tpu.memory_space<vmem>>)
        tpu.yield
      }) : () -> ()
      "tpu.region"() ({
        %run_scoped3A = tpu.sem_alloc : memref<!tpu.dma_semaphore, #tpu.memory_space<semaphore_mem>>
        %dma_start3A = arith.constant 0 : i32
        %dma_start3A_24 = tpu.memref_slice %arg8[%add3A_23, %dma_start3A] : memref<80x128xi32, #tpu.memory_space<vmem>> -> memref<1x128xi32, #tpu.memory_space<vmem>>
        %dma_start3A_25 = tpu.memref_squeeze %dma_start3A_24 : memref<1x128xi32, #tpu.memory_space<vmem>> -> memref<128xi32, #tpu.memory_space<vmem>>
        %dma_start3A_26 = arith.constant 0 : i32
        %dma_start3A_27 = arith.constant 0 : i32
        %dma_start3A_28 = tpu.memref_slice %arg10[%dma_start3A_26, %dma_start3A_27] : memref<10240x128xf32, #tpu.memory_space<vmem_shared>> -> memref<10240x128xf32, #tpu.memory_space<vmem_shared>>
        tpu.enqueue_indirect_dma source(%arg9 : memref<128x128xf32, #tpu.memory_space<vmem>>) target(%dma_start3A_28 : memref<10240x128xf32, #tpu.memory_space<vmem_shared>>) offsets(%dma_start3A_25 : memref<128xi32, #tpu.memory_space<vmem>>) semaphore(%run_scoped3A : memref<!tpu.dma_semaphore, #tpu.memory_space<semaphore_mem>>) {add = true}
        %dma_wait3A = arith.constant 0 : i32
        %dma_wait3A_29 = tpu.memref_slice %arg8[%add3A_23, %dma_wait3A] : memref<80x128xi32, #tpu.memory_space<vmem>> -> memref<1x128xi32, #tpu.memory_space<vmem>>
        %dma_wait3A_30 = tpu.memref_squeeze %dma_wait3A_29 : memref<1x128xi32, #tpu.memory_space<vmem>> -> memref<128xi32, #tpu.memory_space<vmem>>
        %dma_wait3A_31 = arith.constant 0 : i32
        %dma_wait3A_32 = arith.constant 0 : i32
        %dma_wait3A_33 = tpu.memref_slice %arg10[%dma_wait3A_31, %dma_wait3A_32] : memref<10240x128xf32, #tpu.memory_space<vmem_shared>> -> memref<10240x128xf32, #tpu.memory_space<vmem_shared>>
        tpu.wait_indirect_dma semaphore(%run_scoped3A : memref<!tpu.dma_semaphore, #tpu.memory_space<semaphore_mem>>) src(%arg9 : memref<128x128xf32, #tpu.memory_space<vmem>>) dst(%dma_wait3A_33 : memref<10240x128xf32, #tpu.memory_space<vmem_shared>>)
        tpu.yield
      }) : () -> ()
    }
    %scan3A_10 = arith.constant 80 : i32
    %barrier3A_11 = arith.constant 0 : index
    tpu.barrier barrier_id(%barrier3A_11)
    %mul3A_12 = arith.constant 640 : i32
    %mul3A_13 = arith.muli %arg1, %mul3A_12 : i32
    %mul3A_14 = arith.constant 10240 : i32
    %mul3A_15 = arith.muli %arg0, %mul3A_14 : i32
    %mul3A_16 = arith.constant 640 : i32
    %mul3A_17 = arith.muli %arg1, %mul3A_16 : i32
    %add3A_18 = arith.addi %mul3A_15, %mul3A_17 : i32
    "tpu.region"() ({
      %run_scoped3A = tpu.sem_alloc : memref<!tpu.dma_semaphore, #tpu.memory_space<semaphore_mem>>
      %dma_start3A = arith.constant 0 : i32
      %dma_start3A_19 = tpu.memref_slice %arg6[%add3A_18, %dma_start3A] : memref<20480x128xf32, #tpu.memory_space<hbm>> -> memref<640x128xf32, #tpu.memory_space<hbm>>
      %dma_start3A_20 = arith.constant 0 : i32
      %dma_start3A_21 = tpu.memref_slice %arg10[%mul3A_13, %dma_start3A_20] : memref<10240x128xf32, #tpu.memory_space<vmem_shared>> -> memref<640x128xf32, #tpu.memory_space<vmem_shared>>
      tpu.enqueue_dma source(%dma_start3A_21 : memref<640x128xf32, #tpu.memory_space<vmem_shared>>) target(%dma_start3A_19 : memref<640x128xf32, #tpu.memory_space<hbm>>) target_semaphore(%run_scoped3A : memref<!tpu.dma_semaphore, #tpu.memory_space<semaphore_mem>>)
      %dma_wait3A = arith.constant 0 : i32
      %dma_wait3A_22 = tpu.memref_slice %arg6[%add3A_18, %dma_wait3A] : memref<20480x128xf32, #tpu.memory_space<hbm>> -> memref<640x128xf32, #tpu.memory_space<hbm>>
      %dma_wait3A_23 = arith.constant 0 : i32
      %dma_wait3A_24 = tpu.memref_slice %arg10[%mul3A_13, %dma_wait3A_23] : memref<10240x128xf32, #tpu.memory_space<vmem_shared>> -> memref<640x128xf32, #tpu.memory_space<vmem_shared>>
      tpu.wait_dma2 semaphore(%run_scoped3A : memref<!tpu.dma_semaphore, #tpu.memory_space<semaphore_mem>>) src(%dma_wait3A_24 : memref<640x128xf32, #tpu.memory_space<vmem_shared>>) dst(%dma_wait3A_22 : memref<640x128xf32, #tpu.memory_space<hbm>>)
      tpu.yield
    }) : () -> ()
    return
  }
}

module attributes {stable_mosaic.version = 14 : i64} {
  func.func @_tc_prep_body(%arg0: i32, %arg1: memref<1000x256xf32, #tpu.memory_space<vmem>>, %arg2: memref<256x256xf32, #tpu.memory_space<vmem>>, %arg3: memref<1000x128xf32, #tpu.memory_space<vmem>>, %arg4: memref<2x1000x128xf32, #tpu.memory_space<vmem>>) attributes {dimension_semantics = [#tpu.dimension_semantics<arbitrary>], iteration_bounds = array<i64: 10>, scalar_prefetch = 0 : i64, scratch_operands = 0 : i64, tpu.core_type = #tpu.core_type<tc>, window_params = [{transform_indices = @transform_0, window_bounds = array<i64: 1000, 256>}, {pipeline_mode = #tpu.pipeline_mode<synchronous>, transform_indices = @transform_1, window_bounds = array<i64: 256, 256>}, {transform_indices = @transform_2, window_bounds = array<i64: 1000, 128>}, {transform_indices = @transform_3, window_bounds = array<i64: 2, 1000, 128>}]} {
    %get3A = arith.constant 0 : index
    %get3A_0 = arith.constant 0 : index
    %get3A_1 = vector.load %arg3[%get3A, %get3A_0] : memref<1000x128xf32, #tpu.memory_space<vmem>>, vector<1000x1xf32>
    %add3A = arith.constant 1.000000e+00 : f32
    %add3A_2 = vector.broadcast %add3A : f32 to vector<1000x1xf32>
    %add3A_3 = arith.addf %get3A_1, %add3A_2 : vector<1000x1xf32>
    %rsqrt3A = math.rsqrt %add3A_3 : vector<1000x1xf32>
    %get3A_4 = arith.constant 0 : index
    %get3A_5 = arith.constant 0 : index
    %get3A_6 = vector.load %arg1[%get3A_4, %get3A_5] : memref<1000x256xf32, #tpu.memory_space<vmem>>, vector<1000x256xf32>
    %get3A_7 = arith.constant 0 : index
    %get3A_8 = arith.constant 0 : index
    %get3A_9 = vector.load %arg2[%get3A_7, %get3A_8] : memref<256x256xf32, #tpu.memory_space<vmem>>, vector<256x256xf32>
    %dot_general3A = arith.constant dense<0.000000e+00> : vector<1000x256xf32>
    %dot_general3A_10 = tpu.matmul %get3A_6, %get3A_9, %dot_general3A {dimension_numbers = #tpu.dot_dimension_numbers<[1], [0], [0], [1], [0, 0, 1, 1], [], []>, precision = #tpu.contract_precision<fp32>, transpose_lhs_hint = false} : vector<1000x256xf32>, vector<256x256xf32>, vector<1000x256xf32> -> vector<1000x256xf32>
    %mul3A = vector.broadcast %rsqrt3A : vector<1000x1xf32> to vector<1000x256xf32>
    %mul3A_11 = arith.mulf %dot_general3A_10, %mul3A : vector<1000x256xf32>
    %slice3A = vector.extract_strided_slice %mul3A_11 {offsets = [0, 0], sizes = [1000, 128], strides = [1, 1]} : vector<1000x256xf32> to vector<1000x128xf32>
    %swap3A = arith.constant 0 : index
    %swap3A_12 = arith.constant 0 : index
    %swap3A_13 = arith.constant 0 : index
    %swap3A_14 = vector.load %arg4[%swap3A, %swap3A_12, %swap3A_13] : memref<2x1000x128xf32, #tpu.memory_space<vmem>>, vector<1x1000x128xf32>
    %swap3A_15 = vector.shape_cast %swap3A_14 : vector<1x1000x128xf32> to vector<1000x128xf32>
    %swap3A_16 = vector.shape_cast %slice3A : vector<1000x128xf32> to vector<1x1000x128xf32>
    tpu.vector_store %arg4[%swap3A, %swap3A_12, %swap3A_13], %swap3A_16 {strides = array<i32>} : memref<2x1000x128xf32, #tpu.memory_space<vmem>>, vector<1x1000x128xf32>,
    %slice3A_17 = vector.extract_strided_slice %mul3A_11 {offsets = [0, 128], sizes = [1000, 128], strides = [1, 1]} : vector<1000x256xf32> to vector<1000x128xf32>
    %swap3A_18 = arith.constant 1 : index
    %swap3A_19 = arith.constant 0 : index
    %swap3A_20 = arith.constant 0 : index
    %swap3A_21 = vector.load %arg4[%swap3A_18, %swap3A_19, %swap3A_20] : memref<2x1000x128xf32, #tpu.memory_space<vmem>>, vector<1x1000x128xf32>
    %swap3A_22 = vector.shape_cast %swap3A_21 : vector<1x1000x128xf32> to vector<1000x128xf32>
    %swap3A_23 = vector.shape_cast %slice3A_17 : vector<1000x128xf32> to vector<1x1000x128xf32>
    tpu.vector_store %arg4[%swap3A_18, %swap3A_19, %swap3A_20], %swap3A_23 {strides = array<i32>} : memref<2x1000x128xf32, #tpu.memory_space<vmem>>, vector<1x1000x128xf32>,
    return
  }
  func.func @transform_0(%arg0: i32) -> (i32, i32) {
    %c0_i32 = arith.constant 0 : i32
    %c0_i32_0 = arith.constant 0 : i32
    return %arg0, %c0_i32 : i32, i32
  }
  func.func @transform_1(%arg0: i32) -> (i32, i32) {
    %c0_i32 = arith.constant 0 : i32
    %c0_i32_0 = arith.constant 0 : i32
    %c0_i32_1 = arith.constant 0 : i32
    return %c0_i32, %c0_i32_0 : i32, i32
  }
  func.func @transform_2(%arg0: i32) -> (i32, i32) {
    %c0_i32 = arith.constant 0 : i32
    %c0_i32_0 = arith.constant 0 : i32
    return %arg0, %c0_i32 : i32, i32
  }
  func.func @transform_3(%arg0: i32) -> (i32, i32, i32) {
    %c0_i32 = arith.constant 0 : i32
    %c0_i32_0 = arith.constant 0 : i32
    %c0_i32_1 = arith.constant 0 : i32
    return %c0_i32, %arg0, %c0_i32_0 : i32, i32, i32
  }
}

module attributes {stable_mosaic.version = 14 : i64} {
  func.func @_tc_mid_body(%arg0: i32, %arg1: memref<2x1000x128xf32, #tpu.memory_space<vmem>>, %arg2: memref<2x1000x128xf32, #tpu.memory_space<vmem>>, %arg3: memref<1000x128xf32, #tpu.memory_space<vmem>>, %arg4: memref<256x256xf32, #tpu.memory_space<vmem>>, %arg5: memref<1x256xf32, #tpu.memory_space<vmem>>, %arg6: memref<2x1000x128xf32, #tpu.memory_space<vmem>>) attributes {dimension_semantics = [#tpu.dimension_semantics<arbitrary>], iteration_bounds = array<i64: 10>, scalar_prefetch = 0 : i64, scratch_operands = 0 : i64, tpu.core_type = #tpu.core_type<tc>, window_params = [{transform_indices = @transform_0, window_bounds = array<i64: 2, 1000, 128>}, {transform_indices = @transform_1, window_bounds = array<i64: 2, 1000, 128>}, {transform_indices = @transform_2, window_bounds = array<i64: 1000, 128>}, {pipeline_mode = #tpu.pipeline_mode<synchronous>, transform_indices = @transform_3, window_bounds = array<i64: 256, 256>}, {pipeline_mode = #tpu.pipeline_mode<synchronous>, transform_indices = @transform_4, window_bounds = array<i64: 1, 256>}, {transform_indices = @transform_5, window_bounds = array<i64: 2, 1000, 128>}]} {
    %get3A = arith.constant 0 : index
    %get3A_0 = arith.constant 0 : index
    %get3A_1 = vector.load %arg3[%get3A, %get3A_0] : memref<1000x128xf32, #tpu.memory_space<vmem>>, vector<1000x1xf32>
    %add3A = arith.constant 1.000000e+00 : f32
    %add3A_2 = vector.broadcast %add3A : f32 to vector<1000x1xf32>
    %add3A_3 = arith.addf %get3A_1, %add3A_2 : vector<1000x1xf32>
    %rsqrt3A = math.rsqrt %add3A_3 : vector<1000x1xf32>
    %get3A_4 = arith.constant 0 : index
    %get3A_5 = arith.constant 0 : index
    %get3A_6 = arith.constant 0 : index
    %get3A_7 = vector.load %arg1[%get3A_4, %get3A_5, %get3A_6] : memref<2x1000x128xf32, #tpu.memory_space<vmem>>, vector<1x1000x128xf32>
    %get3A_8 = vector.shape_cast %get3A_7 : vector<1x1000x128xf32> to vector<1000x128xf32>
    %get3A_9 = arith.constant 1 : index
    %get3A_10 = arith.constant 0 : index
    %get3A_11 = arith.constant 0 : index
    %get3A_12 = vector.load %arg1[%get3A_9, %get3A_10, %get3A_11] : memref<2x1000x128xf32, #tpu.memory_space<vmem>>, vector<1x1000x128xf32>
    %get3A_13 = vector.shape_cast %get3A_12 : vector<1x1000x128xf32> to vector<1000x128xf32>
    %concatenate3A = tpu.concatenate %get3A_8, %get3A_13 in 1 : vector<1000x128xf32>, vector<1000x128xf32> -> vector<1000x256xf32>
    %get3A_14 = arith.constant 0 : index
    %get3A_15 = arith.constant 0 : index
    %get3A_16 = arith.constant 0 : index
    %get3A_17 = vector.load %arg2[%get3A_14, %get3A_15, %get3A_16] : memref<2x1000x128xf32, #tpu.memory_space<vmem>>, vector<1x1000x128xf32>
    %get3A_18 = vector.shape_cast %get3A_17 : vector<1x1000x128xf32> to vector<1000x128xf32>
    %get3A_19 = arith.constant 1 : index
    %get3A_20 = arith.constant 0 : index
    %get3A_21 = arith.constant 0 : index
    %get3A_22 = vector.load %arg2[%get3A_19, %get3A_20, %get3A_21] : memref<2x1000x128xf32, #tpu.memory_space<vmem>>, vector<1x1000x128xf32>
    %get3A_23 = vector.shape_cast %get3A_22 : vector<1x1000x128xf32> to vector<1000x128xf32>
    %concatenate3A_24 = tpu.concatenate %get3A_18, %get3A_23 in 1 : vector<1000x128xf32>, vector<1000x128xf32> -> vector<1000x256xf32>
    %add3A_25 = arith.addf %concatenate3A, %concatenate3A_24 : vector<1000x256xf32>
    %mul3A = vector.broadcast %rsqrt3A : vector<1000x1xf32> to vector<1000x256xf32>
    %mul3A_26 = arith.mulf %mul3A, %add3A_25 : vector<1000x256xf32>
    %get3A_27 = arith.constant 0 : index
    %get3A_28 = arith.constant 0 : index
    %get3A_29 = vector.load %arg5[%get3A_27, %get3A_28] : memref<1x256xf32, #tpu.memory_space<vmem>>, vector<1x256xf32>
    %add3A_30 = vector.broadcast %get3A_29 : vector<1x256xf32> to vector<1000x256xf32>
    %add3A_31 = arith.addf %mul3A_26, %add3A_30 : vector<1000x256xf32>
    %max3A = arith.constant 0.000000e+00 : f32
    %max3A_32 = vector.broadcast %max3A : f32 to vector<1000x256xf32>
    %max3A_33 = arith.maximumf %add3A_31, %max3A_32 : vector<1000x256xf32>
    %get3A_34 = arith.constant 0 : index
    %get3A_35 = arith.constant 0 : index
    %get3A_36 = vector.load %arg4[%get3A_34, %get3A_35] : memref<256x256xf32, #tpu.memory_space<vmem>>, vector<256x256xf32>
    %dot_general3A = arith.constant dense<0.000000e+00> : vector<1000x256xf32>
    %dot_general3A_37 = tpu.matmul %max3A_33, %get3A_36, %dot_general3A {dimension_numbers = #tpu.dot_dimension_numbers<[1], [0], [0], [1], [0, 0, 1, 1], [], []>, precision = #tpu.contract_precision<fp32>, transpose_lhs_hint = false} : vector<1000x256xf32>, vector<256x256xf32>, vector<1000x256xf32> -> vector<1000x256xf32>
    %mul3A_38 = vector.broadcast %rsqrt3A : vector<1000x1xf32> to vector<1000x256xf32>
    %mul3A_39 = arith.mulf %dot_general3A_37, %mul3A_38 : vector<1000x256xf32>
    %slice3A = vector.extract_strided_slice %mul3A_39 {offsets = [0, 0], sizes = [1000, 128], strides = [1, 1]} : vector<1000x256xf32> to vector<1000x128xf32>
    %swap3A = arith.constant 0 : index
    %swap3A_40 = arith.constant 0 : index
    %swap3A_41 = arith.constant 0 : index
    %swap3A_42 = vector.load %arg6[%swap3A, %swap3A_40, %swap3A_41] : memref<2x1000x128xf32, #tpu.memory_space<vmem>>, vector<1x1000x128xf32>
    %swap3A_43 = vector.shape_cast %swap3A_42 : vector<1x1000x128xf32> to vector<1000x128xf32>
    %swap3A_44 = vector.shape_cast %slice3A : vector<1000x128xf32> to vector<1x1000x128xf32>
    tpu.vector_store %arg6[%swap3A, %swap3A_40, %swap3A_41], %swap3A_44 {strides = array<i32>} : memref<2x1000x128xf32, #tpu.memory_space<vmem>>, vector<1x1000x128xf32>,
    %slice3A_45 = vector.extract_strided_slice %mul3A_39 {offsets = [0, 128], sizes = [1000, 128], strides = [1, 1]} : vector<1000x256xf32> to vector<1000x128xf32>
    %swap3A_46 = arith.constant 1 : index
    %swap3A_47 = arith.constant 0 : index
    %swap3A_48 = arith.constant 0 : index
    %swap3A_49 = vector.load %arg6[%swap3A_46, %swap3A_47, %swap3A_48] : memref<2x1000x128xf32, #tpu.memory_space<vmem>>, vector<1x1000x128xf32>
    %swap3A_50 = vector.shape_cast %swap3A_49 : vector<1x1000x128xf32> to vector<1000x128xf32>
    %swap3A_51 = vector.shape_cast %slice3A_45 : vector<1000x128xf32> to vector<1x1000x128xf32>
    tpu.vector_store %arg6[%swap3A_46, %swap3A_47, %swap3A_48], %swap3A_51 {strides = array<i32>} : memref<2x1000x128xf32, #tpu.memory_space<vmem>>, vector<1x1000x128xf32>,
    return
  }
  func.func @transform_0(%arg0: i32) -> (i32, i32, i32) {
    %c0_i32 = arith.constant 0 : i32
    %c0_i32_0 = arith.constant 0 : i32
    %c0_i32_1 = arith.constant 0 : i32
    return %c0_i32, %arg0, %c0_i32_0 : i32, i32, i32
  }
  func.func @transform_1(%arg0: i32) -> (i32, i32, i32) {
    %c0_i32 = arith.constant 0 : i32
    %c0_i32_0 = arith.constant 0 : i32
    %c0_i32_1 = arith.constant 0 : i32
    return %c0_i32, %arg0, %c0_i32_0 : i32, i32, i32
  }
  func.func @transform_2(%arg0: i32) -> (i32, i32) {
    %c0_i32 = arith.constant 0 : i32
    %c0_i32_0 = arith.constant 0 : i32
    return %arg0, %c0_i32 : i32, i32
  }
  func.func @transform_3(%arg0: i32) -> (i32, i32) {
    %c0_i32 = arith.constant 0 : i32
    %c0_i32_0 = arith.constant 0 : i32
    %c0_i32_1 = arith.constant 0 : i32
    return %c0_i32, %c0_i32_0 : i32, i32
  }
  func.func @transform_4(%arg0: i32) -> (i32, i32) {
    %c0_i32 = arith.constant 0 : i32
    %c0_i32_0 = arith.constant 0 : i32
    %c0_i32_1 = arith.constant 0 : i32
    return %c0_i32, %c0_i32_0 : i32, i32
  }
  func.func @transform_5(%arg0: i32) -> (i32, i32, i32) {
    %c0_i32 = arith.constant 0 : i32
    %c0_i32_0 = arith.constant 0 : i32
    %c0_i32_1 = arith.constant 0 : i32
    return %c0_i32, %arg0, %c0_i32_0 : i32, i32, i32
  }
}

module attributes {stable_mosaic.version = 14 : i64} {
  func.func @_tc_fin_body(%arg0: i32, %arg1: memref<2x1000x128xf32, #tpu.memory_space<vmem>>, %arg2: memref<2x1000x128xf32, #tpu.memory_space<vmem>>, %arg3: memref<1000x128xf32, #tpu.memory_space<vmem>>, %arg4: memref<1x256xf32, #tpu.memory_space<vmem>>, %arg5: memref<256x32xf32, #tpu.memory_space<vmem>>, %arg6: memref<1x32xf32, #tpu.memory_space<vmem>>, %arg7: memref<1000x32xf32, #tpu.memory_space<vmem>>) attributes {dimension_semantics = [#tpu.dimension_semantics<arbitrary>], iteration_bounds = array<i64: 10>, scalar_prefetch = 0 : i64, scratch_operands = 0 : i64, tpu.core_type = #tpu.core_type<tc>, window_params = [{transform_indices = @transform_0, window_bounds = array<i64: 2, 1000, 128>}, {transform_indices = @transform_1, window_bounds = array<i64: 2, 1000, 128>}, {transform_indices = @transform_2, window_bounds = array<i64: 1000, 128>}, {pipeline_mode = #tpu.pipeline_mode<synchronous>, transform_indices = @transform_3, window_bounds = array<i64: 1, 256>}, {pipeline_mode = #tpu.pipeline_mode<synchronous>, transform_indices = @transform_4, window_bounds = array<i64: 256, 32>}, {pipeline_mode = #tpu.pipeline_mode<synchronous>, transform_indices = @transform_5, window_bounds = array<i64: 1, 32>}, {transform_indices = @transform_6, window_bounds = array<i64: 1000, 32>}]} {
    %get3A = arith.constant 0 : index
    %get3A_0 = arith.constant 0 : index
    %get3A_1 = vector.load %arg3[%get3A, %get3A_0] : memref<1000x128xf32, #tpu.memory_space<vmem>>, vector<1000x1xf32>
    %add3A = arith.constant 1.000000e+00 : f32
    %add3A_2 = vector.broadcast %add3A : f32 to vector<1000x1xf32>
    %add3A_3 = arith.addf %get3A_1, %add3A_2 : vector<1000x1xf32>
    %rsqrt3A = math.rsqrt %add3A_3 : vector<1000x1xf32>
    %get3A_4 = arith.constant 0 : index
    %get3A_5 = arith.constant 0 : index
    %get3A_6 = arith.constant 0 : index
    %get3A_7 = vector.load %arg1[%get3A_4, %get3A_5, %get3A_6] : memref<2x1000x128xf32, #tpu.memory_space<vmem>>, vector<1x1000x128xf32>
    %get3A_8 = vector.shape_cast %get3A_7 : vector<1x1000x128xf32> to vector<1000x128xf32>
    %get3A_9 = arith.constant 1 : index
    %get3A_10 = arith.constant 0 : index
    %get3A_11 = arith.constant 0 : index
    %get3A_12 = vector.load %arg1[%get3A_9, %get3A_10, %get3A_11] : memref<2x1000x128xf32, #tpu.memory_space<vmem>>, vector<1x1000x128xf32>
    %get3A_13 = vector.shape_cast %get3A_12 : vector<1x1000x128xf32> to vector<1000x128xf32>
    %concatenate3A = tpu.concatenate %get3A_8, %get3A_13 in 1 : vector<1000x128xf32>, vector<1000x128xf32> -> vector<1000x256xf32>
    %get3A_14 = arith.constant 0 : index
    %get3A_15 = arith.constant 0 : index
    %get3A_16 = arith.constant 0 : index
    %get3A_17 = vector.load %arg2[%get3A_14, %get3A_15, %get3A_16] : memref<2x1000x128xf32, #tpu.memory_space<vmem>>, vector<1x1000x128xf32>
    %get3A_18 = vector.shape_cast %get3A_17 : vector<1x1000x128xf32> to vector<1000x128xf32>
    %get3A_19 = arith.constant 1 : index
    %get3A_20 = arith.constant 0 : index
    %get3A_21 = arith.constant 0 : index
    %get3A_22 = vector.load %arg2[%get3A_19, %get3A_20, %get3A_21] : memref<2x1000x128xf32, #tpu.memory_space<vmem>>, vector<1x1000x128xf32>
    %get3A_23 = vector.shape_cast %get3A_22 : vector<1x1000x128xf32> to vector<1000x128xf32>
    %concatenate3A_24 = tpu.concatenate %get3A_18, %get3A_23 in 1 : vector<1000x128xf32>, vector<1000x128xf32> -> vector<1000x256xf32>
    %add3A_25 = arith.addf %concatenate3A, %concatenate3A_24 : vector<1000x256xf32>
    %mul3A = vector.broadcast %rsqrt3A : vector<1000x1xf32> to vector<1000x256xf32>
    %mul3A_26 = arith.mulf %mul3A, %add3A_25 : vector<1000x256xf32>
    %get3A_27 = arith.constant 0 : index
    %get3A_28 = arith.constant 0 : index
    %get3A_29 = vector.load %arg4[%get3A_27, %get3A_28] : memref<1x256xf32, #tpu.memory_space<vmem>>, vector<1x256xf32>
    %add3A_30 = vector.broadcast %get3A_29 : vector<1x256xf32> to vector<1000x256xf32>
    %add3A_31 = arith.addf %mul3A_26, %add3A_30 : vector<1000x256xf32>
    %max3A = arith.constant 0.000000e+00 : f32
    %max3A_32 = vector.broadcast %max3A : f32 to vector<1000x256xf32>
    %max3A_33 = arith.maximumf %add3A_31, %max3A_32 : vector<1000x256xf32>
    %get3A_34 = arith.constant 0 : index
    %get3A_35 = arith.constant 0 : index
    %get3A_36 = vector.load %arg5[%get3A_34, %get3A_35] : memref<256x32xf32, #tpu.memory_space<vmem>>, vector<256x32xf32>
    %dot_general3A = arith.constant dense<0.000000e+00> : vector<1000x32xf32>
    %dot_general3A_37 = tpu.matmul %max3A_33, %get3A_36, %dot_general3A {dimension_numbers = #tpu.dot_dimension_numbers<[1], [0], [0], [1], [0, 0, 1, 1], [], []>, precision = #tpu.contract_precision<fp32>, transpose_lhs_hint = false} : vector<1000x256xf32>, vector<256x32xf32>, vector<1000x32xf32> -> vector<1000x32xf32>
    %get3A_38 = arith.constant 0 : index
    %get3A_39 = arith.constant 0 : index
    %get3A_40 = vector.load %arg6[%get3A_38, %get3A_39] : memref<1x32xf32, #tpu.memory_space<vmem>>, vector<1x32xf32>
    %add3A_41 = vector.broadcast %get3A_40 : vector<1x32xf32> to vector<1000x32xf32>
    %add3A_42 = arith.addf %dot_general3A_37, %add3A_41 : vector<1000x32xf32>
    %reduce_max3A = arith.constant dense<0xFF800000> : vector<1000xf32>
    %reduce_max3A_43 = vector.multi_reduction <maximumf>, %add3A_42, %reduce_max3A [1] : vector<1000x32xf32> to vector<1000xf32>
    %broadcast_in_dim3A = vector.shape_cast %reduce_max3A_43 : vector<1000xf32> to vector<1000x1xf32>
    %sub3A = vector.broadcast %broadcast_in_dim3A : vector<1000x1xf32> to vector<1000x32xf32>
    %sub3A_44 = arith.subf %add3A_42, %sub3A : vector<1000x32xf32>
    %exp3A = math.exp %sub3A_44 : vector<1000x32xf32>
    %reduce_sum3A = arith.constant dense<0.000000e+00> : vector<1000xf32>
    %reduce_sum3A_45 = vector.multi_reduction <add>, %exp3A, %reduce_sum3A [1] : vector<1000x32xf32> to vector<1000xf32>
    %broadcast_in_dim3A_46 = vector.shape_cast %reduce_sum3A_45 : vector<1000xf32> to vector<1000x1xf32>
    %log3A = math.log %broadcast_in_dim3A_46 : vector<1000x1xf32>
    %add3A_47 = arith.addf %log3A, %broadcast_in_dim3A : vector<1000x1xf32>
    %sub3A_48 = vector.broadcast %add3A_47 : vector<1000x1xf32> to vector<1000x32xf32>
    %sub3A_49 = arith.subf %add3A_42, %sub3A_48 : vector<1000x32xf32>
    %swap3A = arith.constant 0 : index
    %swap3A_50 = arith.constant 0 : index
    %swap3A_51 = vector.load %arg7[%swap3A, %swap3A_50] : memref<1000x32xf32, #tpu.memory_space<vmem>>, vector<1000x32xf32>
    tpu.vector_store %arg7[%swap3A, %swap3A_50], %sub3A_49 {strides = array<i32>} : memref<1000x32xf32, #tpu.memory_space<vmem>>, vector<1000x32xf32>,
    return
  }
  func.func @transform_0(%arg0: i32) -> (i32, i32, i32) {
    %c0_i32 = arith.constant 0 : i32
    %c0_i32_0 = arith.constant 0 : i32
    %c0_i32_1 = arith.constant 0 : i32
    return %c0_i32, %arg0, %c0_i32_0 : i32, i32, i32
  }
  func.func @transform_1(%arg0: i32) -> (i32, i32, i32) {
    %c0_i32 = arith.constant 0 : i32
    %c0_i32_0 = arith.constant 0 : i32
    %c0_i32_1 = arith.constant 0 : i32
    return %c0_i32, %arg0, %c0_i32_0 : i32, i32, i32
  }
  func.func @transform_2(%arg0: i32) -> (i32, i32) {
    %c0_i32 = arith.constant 0 : i32
    %c0_i32_0 = arith.constant 0 : i32
    return %arg0, %c0_i32 : i32, i32
  }
  func.func @transform_3(%arg0: i32) -> (i32, i32) {
    %c0_i32 = arith.constant 0 : i32
    %c0_i32_0 = arith.constant 0 : i32
    %c0_i32_1 = arith.constant 0 : i32
    return %c0_i32, %c0_i32_0 : i32, i32
  }
  func.func @transform_4(%arg0: i32) -> (i32, i32) {
    %c0_i32 = arith.constant 0 : i32
    %c0_i32_0 = arith.constant 0 : i32
    %c0_i32_1 = arith.constant 0 : i32
    return %c0_i32, %c0_i32_0 : i32, i32
  }
  func.func @transform_5(%arg0: i32) -> (i32, i32) {
    %c0_i32 = arith.constant 0 : i32
    %c0_i32_0 = arith.constant 0 : i32
    %c0_i32_1 = arith.constant 0 : i32
    return %c0_i32, %c0_i32_0 : i32, i32
  }
  func.func @transform_6(%arg0: i32) -> (i32, i32) {
    %c0_i32 = arith.constant 0 : i32
    %c0_i32_0 = arith.constant 0 : i32
    return %arg0, %c0_i32 : i32, i32
  }
}

</mosaic_0001>

<sc_bundles>
// kernel: kernel.11.cloned.1.call-start
scs
__scs_entry_jumppad:
0x0: {  	(pc) =	sbr.rel $0x88, $3  }
0x1: {  	(tag) =	ssettag $0x0;
	lr =	simm.s32 $0x1  }
0x2: {  	[smem:$0x3F99] =	sst lr;
	_ =	strace $0xD0000000  }
0x3: {  	_ = 	snop  }
0x4: {  	_ = 	snop  }
0x5: {  	_ = 	snop  }
0x6: {  	_ = 	snop  }
0x7: {  	_ = 	snop  }
__scs_overlays_trampoline_lowered:
0x8: {  	[smem:$0x3FA8] =	sst s0  }
0x9: {  	[smem:$0x3FA9] =	sst s1  }
0xa: {  	[smem:$0x3FAA] =	sst s2  }
0xb: {  	[smem:$0x3FAB] =	sst s3  }
0xc: {  	[smem:$0x3FAC] =	sst s4  }
0xd: {  	[smem:$0x3FAD] =	sst s5  }
0xe: {  	[smem:$0x3FAE] =	sst s6  }
0xf: {  	[smem:$0x3FAF] =	sst s7  }
0x10: {  	[smem:$0x3FB0] =	sst s8  }
0x11: {  	[smem:$0x3FB1] =	sst s9;
	s0 =	simm.s32 @!p0 $0x0  }
0x12: {  	s1 =	sld [smem:$0x3F97];
	s0 =	simm.s32 @p0 $0x1  }
0x13: {  	[smem:$0x3FB2] =	sst s0;
	s0 =	simm.s32 @!p1 $0x0  }
0x14: {  	s2 =	sld [smem:$0x3F96];
	s0 =	simm.s32 @p1 $0x1  }
0x15: {  	[smem:$0x3FB3] =	sst s0;
	s0 =	simm.s32 @!p2 $0x0  }
0x16: {  	s3 =	sld [smem:$0x3FDB];
	s0 =	simm.s32 @p2 $0x1  }
0x17: {  	s4 =	simm.s32 $0x1BF5;
	[smem:$0x3FB5] =	sst s0  }
0x18: {  	s0 =	sld [smem:$0x3F98];
	_ =	swait.ge [sflag:s4], $0x0  }
0x19: {  	s7 =	sld [smem:$0x3F99]  }
0x1a: {  	s8 =	sadd.s32 $0xFFFFE003, lr  }
0x1b: {  	s9 =	sadd.s32 $0xFFFFFEF7, lr;
	s5 =	simm.s32 $0xFFFFFFFF;
	p2 =	slt.u32 s8, $0xFFFFF086  }
0x1c: {  	p1 =	slt.u32 s9, $0xF7A;
	s5 =	simm.s32 @!p2 $0x0  }
0x1d: {  	s5 =	simm.s32 @p1 $0x1;
	p0 =	seq.s32 s7, s2  }
0x1e: {  	s7 =	smul.u32 @!p0 $0xF7A, s2;
	p2 =	seq.s32 @!p0 s5, $0x0  }
0x1f: {  	s9 =	smul.u32 $0xF7A, s1;
	s8 =	simm.s32 @!p0 $0x1BF5;
	p2 =	por !p2, p0  }
0x20: {  	[sflag:s8] =	ssyncset.s32 @!p0 $0xFFFFF086;
	s6 =	sadd.s32 @!p0 s3, s7;
	s7 =	simm.s32 @!p0 $0x108  }
0x21: {  	s3 =	sadd.s32 s3, s9;
	s6 =	sadd.s32 @!p0 $0x88, s6;
	s7 =	simm.s32 @p2 $0x1082  }
0x22: {  	[simem:s7], [sflag:s8] =	dma.local @!p0 [hbm:s6], $0xF7A  }
0x23: {  	s9 =	sor.u32 $0xD0000000, s2;
	s6 =	simm.s32 $0x108;
	_ =	swait.ge @!p0 [sflag:s8], $0x0  }
0x24: {  	s3 =	sadd.s32 $0x88, s3;
	s6 =	simm.s32 @!p1 $0x1082;
	[sflag:s4] =	ssyncset.s32 $0xFFFFF086  }
0x25: {  	[simem:s6], [sflag:s4] =	dma.local [hbm:s3], $0xF7A  }
0x26: {  	[smem:$0x3F99] =	sst s1;
	(tag) =	ssettag s2;
	_ =	strace s9  }
0x27: {  	s1 =	sld [smem:$0x3FA9]  }
0x28: {  	s2 =	sld [smem:$0x3FAA]  }
0x29: {  	s4 =	sld [smem:$0x3FAC]  }
0x2a: {  	p0 =	seq.s32 s5, $0x0;
	s5 =	sld [smem:$0x3FAD]  }
0x2b: {  	s6 =	sld [smem:$0x3FAE]  }
0x2c: {  	s7 =	sld [smem:$0x3FAF]  }
0x2d: {  	s3 =	simm.s32 $0x108;
	s8 =	sld [smem:$0x3FB0]  }
0x2e: {  	s3 =	simm.s32 @!p0 $0x1082;
	s9 =	sld [smem:$0x3FB1]  }
0x2f: {  	lr =	sadd.s32 s0, s3;
	s0 =	sld [smem:$0x3FA8]  }
0x30: {  	s3 =	sld [smem:$0x3FAB]  }
0x31: {  	[smem:$0x3FB4] =	sst s10  }
0x32: {  	s10 =	sld [smem:$0x3FB2];
	_ =	sdelay $0x3  }
0x33: {  	p0 =	seq.s32 s10, $0x1;
	s10 =	sld [smem:$0x3FB4];
	_ =	sdelay $0x3  }
0x34: {  	[smem:$0x3FB4] =	sst s10  }
0x35: {  	s10 =	sld [smem:$0x3FB3];
	_ =	sdelay $0x3  }
0x36: {  	p1 =	seq.s32 s10, $0x1;
	s10 =	sld [smem:$0x3FB4];
	_ =	sdelay $0x3  }
0x37: {  	[smem:$0x3FB4] =	sst s10  }
0x38: {  	s10 =	sld [smem:$0x3FB5]  }
0x39: {  	_ = 	snop;
	(pc) =	sbr.ind lr, $3  }
0x3a: {  	_ = 	snop  }
0x3b: {  	_ = 	snop  }
0x3c: {  	p2 =	seq.s32 s10, $0x1;
	s10 =	sld [smem:$0x3FB4]  }
0x3d: {  	_ =	shalt  }
0x3e: {  	_ =	shalt  }
0x3f: {  	_ =	shalt  }
0x40: {  	_ =	shalt  }
0x41: {  	_ =	shalt  }
0x42: {  	_ =	shalt  }
0x43: {  	_ =	shalt  }
0x44: {  	_ =	shalt  }
0x45: {  	_ =	shalt  }
0x46: {  	_ =	shalt  }
0x47: {  	_ =	shalt  }
0x48: {  	_ =	shalt  }
0x49: {  	_ =	shalt  }
0x4a: {  	_ =	shalt  }
0x4b: {  	_ =	shalt  }
0x4c: {  	_ =	shalt  }
0x4d: {  	_ =	shalt  }
0x4e: {  	_ =	shalt  }
0x4f: {  	_ =	shalt  }
0x50: {  	_ =	shalt  }
0x51: {  	_ =	shalt  }
0x52: {  	_ =	shalt  }
0x53: {  	_ =	shalt  }
0x54: {  	_ =	shalt  }
0x55: {  	_ =	shalt  }
0x56: {  	_ =	shalt  }
0x57: {  	_ =	shalt  }
0x58: {  	_ =	shalt  }
0x59: {  	_ =	shalt  }
0x5a: {  	_ =	shalt  }
0x5b: {  	_ =	shalt  }
0x5c: {  	_ =	shalt  }
0x5d: {  	_ =	shalt  }
0x5e: {  	_ =	shalt  }
0x5f: {  	_ =	shalt  }
0x60: {  	_ =	shalt  }
0x61: {  	_ =	shalt  }
0x62: {  	_ =	shalt  }
0x63: {  	_ =	shalt  }
0x64: {  	_ =	shalt  }
0x65: {  	_ =	shalt  }
0x66: {  	_ =	shalt  }
0x67: {  	_ =	shalt  }
0x68: {  	_ =	shalt  }
0x69: {  	_ =	shalt  }
0x6a: {  	_ =	shalt  }
0x6b: {  	_ =	shalt  }
0x6c: {  	_ =	shalt  }
0x6d: {  	_ =	shalt  }
0x6e: {  	_ =	shalt  }
0x6f: {  	_ =	shalt  }
0x70: {  	_ =	shalt  }
0x71: {  	_ =	shalt  }
0x72: {  	_ =	shalt  }
0x73: {  	_ =	shalt  }
0x74: {  	_ =	shalt  }
0x75: {  	_ =	shalt  }
0x76: {  	_ =	shalt  }
0x77: {  	_ =	shalt  }
0x78: {  	_ =	shalt  }
0x79: {  	_ =	shalt  }
0x7a: {  	_ =	shalt  }
0x7b: {  	_ =	shalt  }
0x7c: {  	_ =	shalt  }
0x7d: {  	_ =	shalt  }
0x7e: {  	_ =	shalt  }
0x7f: {  	_ =	shalt  }
0x80: {  	_ =	shalt  }
0x81: {  	_ =	shalt  }
0x82: {  	_ =	shalt  }
0x83: {  	_ =	shalt  }
0x84: {  	_ =	shalt  }
0x85: {  	_ =	shalt  }
0x86: {  	_ =	shalt  }
0x87: {  	_ =	shalt  }
.Lfunc_end0:
.L_simem_size_0:
called_computation.1_lowered:
.L_overlay_start_0:
0x88: {  	s2 =	sld [smem:$0x3FD9]  }
0x89: {  	s3 =	sld [smem:$0x3FFE];
	_ =	sdelay $0x1  }
0x8a: {  	s1 =	srdreg.scid  }
0x8b: {  	s0 =	sand.u32 $0x1, s1  }
0x8c: {  	s17 =	sshll.u32 s0, $0xA;
	s2 =	sadd.s32 s3, s2  }
0x8d: {  	s2 =	sadd.s32 s2, s17  }
0x8e: {  	[smem:$0x3FC0] =	sst s2  }
0x8f: {  	_ = 	snop  }
0x90: {  	s2 =	sld [smem:$0x3FD0];
	(tm) =	ssettm $0x1  }
0x91: {  	s18 =	sld [smem:$0x3FFB];
	_ =	sdelay $0x3  }
0x92: {  	_ =	strace s18  }
0x93: {  	s3 =	sld [smem:$0x3FFC];
	_ =	sdelay $0x3  }
0x94: {  	_ =	strace s3  }
0x95: {  	s3 =	sld [smem:$0x3FFD];
	_ =	sdelay $0x3  }
0x96: {  	_ =	strace s3  }
0x97: {  	_ =	strace $0x8FFFFFFF  }
0x98: {  	s19 =	sld [smem:$0x3FDB];
	_ =	sdelay $0x1  }
0x99: {  	s4 =	simm.s32 $_scs_section_size  }
0x9a: {  	s5 =	simm.s32 $_size__tile_overlayer_lowered;
	s6 =	simm.s32 $_tile_overlayer_lowered  }
0x9b: {  	s22 =	simm.s32 $0x1BFF;
	s21 =	sshll.u32 s6, $0x1;
	s3 =	sadd.s32 s4, s19  }
0x9c: {  	s7 =	simm.s32 $0x0;
	s20 =	sshll.u32 s5, $0x1;
	s5 =	sadd.s32 s21, s3  }
0x9d: {  	[timem:s7], [sflag:s22] =	dma.local [hbm:s5], s20  }
0x9e: {  	_ =	swait.ge [sflag:s22], s20  }
0x9f: {  	s4 =	ssub.s32 $0x0, s20;
	[sflag:s22] =	ssyncset.done $0x0  }
0xa0: {  	[sflag:s22] =	ssyncadd.s32 s4;
	_ =	sdelay $0x1  }
0xa1: {  	s23 =	simm.s32 $0x1B8B  }
0xa2: {  	_ =	swait.ge [sflag:s23], $0x1  }
0xa3: {  	[sflag:s23] =	ssyncset.done $0x0  }
0xa4: {  	s25 =	simm.s32 $0x1B8E;
	s24 =	sld [smem:$0x3FFE];
	[sflag:s23] =	ssyncadd.s32 $0xFFFFFFFF  }
0xa5: {  	s26 =	simm.s32 $execute0_lowered;
	[smem:$0x3FD2] =	sst s25  }
0xa6: {  	s5 =	sshll.u32 s26, $0x1;
	_ =	strace $0x80000049;
	[dreg:$0x1] =	wrdreg $0xFFFFFFFF  }
0xa7: {  	s28 =	simm.s32 $_size_execute0_lowered;
	s3 =	sadd.s32 s3, s5;
	[dreg:$0x0] =	wrdreg $0x0  }
0xa8: {  	s5 =	sshll.u32 s28, $0x1;
	[dreg:$0x2] =	wrdreg s3  }
0xa9: {  	[dreg:$0x3] =	wrdreg s5  }
0xaa: {  	[dreg:$0x4] =	wrdreg $0xC0  }
0xab: {  	_ =	task [dreg:s7], $0x5FFFF  }
0xac: {  	[dreg:$0x1] =	wrdreg $0xFFFFFFFF  }
0xad: {  	[dreg:$0x0] =	wrdreg $0x60  }
0xae: {  	[dreg:$0x2] =	wrdreg s24  }
0xaf: {  	[dreg:$0x3] =	wrdreg s2  }
0xb0: {  	[dreg:$0x4] =	wrdreg $0x90000  }
0xb1: {  	[dreg:$0x5] =	wrdreg $0x9  }
0xb2: {  	_ =	task.clear_ibuf [dreg:s7], $0x6FFFF;
	_ =	strace $0x90000049  }
0xb3: {  	s29 =	simm.s32 $0x9;
	_ =	strace $0x8000004B  }
0xb4: {  	_ =	swait.ge [sflag:s29], $0x1  }
0xb5: {  	[sflag:s29] =	ssyncadd.s32 $0xFFFFFFFF  }
0xb6: {  	_ =	strace $0x9000004B  }
0xb7: {  	_ =	sfence  }
0xb8: {  	s30 =	sld [smem:$0x0];
	_ =	sdelay $0x2  }
0xb9: {  	s31 =	sshll.u32 s1, $0xD;
	s1 =	sshrl.u32 s1, $0x2  }
0xba: {  	s3 =	sand.u32 $0x4000, s31;
	s1 =	sadd.s32 s1, s30  }
0xbb: {  	s0 =	sor.u32 s3, s0;
	s1 =	sshll.u32 s1, $0x11  }
0xbc: {  	s0 =	sor.u32 s1, s0  }
0xbd: {  	s0 =	sadd.s32 $0x8F2B, s0  }
0xbe: {  	[sflag:s0] =	ssyncadd.remote.s32 $0x1  }
0xbf: {  	_ =	sfence.sel $0xFFFF  }
0xc0: {  	[dreg:$0x0] =	wrdreg $0xFFFFFFFF;
	(pc) =	sbr.abs _section_cstart, $3  }
0xc1: {  	[dreg:$0x1] =	wrdreg $0xFFFFFFFF  }
0xc2: {  	_ =	task.clear_ibuf [dreg:s7], $0x2FFFF;
	_ =	strace $0x9FFFFFFF  }
0xc3: {  	(tm) =	ssettm $0x7FFFFFFF  }
tec
execute0_lowered:
.L_overlay_start_1:
0x0: {  	(tag) =	ssettag $0x1  }
0x1: {  	s6 =	rddreg [dreg:$0x0]  }
0x2: {  	s7 =	rddreg [dreg:$0x1]  }
0x3: {  	s0 =	srdreg.scid;
	s2 =	rddreg [dreg:$0x2]  }
0x4: {  	s1 =	rddreg [dreg:$0x3];
	s5 =	sand.u32 $0x1, s0  }
0x5: {  	s0 =	stileid.u32;
	s4 =	smul.u32 $0x5000, s5  }
0x6: {  	s3 =	simm.s32 $0x0;
	s14 =	simm.s32 $0x80;
	s8 =	smul.u32 $0x500, s0  }
0x7: {  	s15 =	simm.s32 $0x5000;
	[smem:$0x7FF] =	sst s3;
	s9 =	smul.u32 $0x2800, s0  }
0x8: {  	s16 =	simm.s32 $0x0;
	s11 =	smul.u32 $0x28000, s5;
	_ =	strace $0x8000004A  }
0x9: {  	s28 =	ssub.s32 $0x2, s5;
	s12 =	smul.u32 $0x50000, s0;
	s5 =	sadd.s32 $0x2400, s6  }
0xa: {  	s31 =	sshll.u32 s0, $0x6;
	s29 =	sshrl.u32 s28, $0x1;
	s10 =	sadd.s32 s8, s4  }
0xb: {  	s4 =	sadd.s32 $0x40200, s6;
	s9 =	sadd.s32 s9, s11;
	s11 =	ssub.s32 s28, s29  }
0xc: {  	s30 =	sshrl.u32 s12, $0x2;
	s7 =	sadd.s32 s7, s8;
	s12 =	sor.u32 $0x1C01, s31  }
0xd: {  	s10 =	sadd.s32 s10, s6;
	s9 =	sadd.s32 s9, s6;
	s13 =	sadd.s32 s30, s2  }
0xe: {  	s6 =	sadd.s32 $0x36200, s10;
	s8 =	sadd.s32 $0x8E400, s9;
	s9 =	smax.u32 s11, $0x1  }
0xf: {  	s10 =	simm.s32 $0x1;
	s11 =	simm.s32 $0x2800;
	s13 =	sshrl.u32 s13, $0x3  }
.LBB2_1:
0x10: {  	[tilespmem:s3], [sflag:$0x1] =	stream.linear.gather [hbm4b:s6+s3], $0x2800, $0x38;
	[tilespmem:$0x1D000] =	vst v63  }
0x11: {  	_ =	swait.ge [sflag:s10], $0x2800  }
0x12: {  	[sflag:s10] =	ssyncset.done $0x0  }
0x13: {  	[sflag:s10] =	ssyncadd.s32 $0xFFFFD800  }
0x14: {  	[tilespmem:s11], [sflag:$0x1] =	stream.linear.gather [hbm4b:s7+s3], $0x2800, $0x38;
	[tilespmem:$0x1D000] =	vst v63  }
0x15: {  	_ =	swait.ge [sflag:s10], $0x2800  }
0x16: {  	[sflag:s10] =	ssyncset.done $0x0  }
0x17: {  	[sflag:s10] =	ssyncadd.s32 $0xFFFFD800  }
0x18: {  	[spmem:s13], [sflag:s12] =	dma.local [hbm:s5], $0x2800  }
0x19: {  	_ =	swait.ge [sflag:s10], $0x2800  }
0x1a: {  	[sflag:s10] =	ssyncset.done $0x0  }
0x1b: {  	[sflag:s10] =	ssyncadd.s32 $0xFFFFD800  }
0x1c: {  	s17 =	simm.s32 $0x0;
	[bflag:$0x0] =	sbarrier.arrive $0xFFFF  }
0x1d: {  	[tilespmem:s15], [sflag:$0x1] =	stream.indirect.gather [hbm4b:s4+s14], $0x80, s17, s14, $0xb8;
	[tilespmem:$0x1D000] =	vst v63  }
0x1e: {  	_ =	swait.ge [sflag:s10], $0x4000  }
0x1f: {  	[sflag:s10] =	ssyncset.done $0x0  }
0x20: {  	s31 =	simm.s32 $0x2800;
	[sflag:s10] =	ssyncadd.s32 $0xFFFFC000  }
0x21: {  	[spmem:s2] =	stream.indirect.scatter.add.f32 [tilespmem:s15], [sflag:$0x1], $0x80, s31, s14, $0xb8;
	[tilespmem:$0x1D000] =	vst v63  }
0x22: {  	_ =	swait.ge [sflag:s10], $0x4000  }
0x23: {  	s18 =	simm.s32 $0x400;
	s17 =	simm.s32 $0x200;
	[sflag:s10] =	ssyncset.done $0x0  }
.LBB2_2:
0x24: {  	s19 =	sshra.s32 s17, $0x2  }
0x25: {  	[sflag:s10] =	ssyncadd.s32 $0xFFFFC000;
	s17 =	smov.u32 s18;
	s20 =	sadd.s32 $0x200, s18  }
0x26: {  	[tilespmem:s15], [sflag:$0x1] =	stream.indirect.gather [hbm4b:s4+s14], $0x80, s19, s14, $0xb8;
	[tilespmem:$0x1D000] =	vst v63  }
0x27: {  	p0 =	sne.s32 s18, $0x9E00;
	_ =	swait.ge [sflag:s10], $0x4000  }
.Ltmp0:
0x28: {  	[sflag:s10] =	ssyncset.done $0x0;
	(pc) =	sbr.rel @p0 .LBB2_2-.Ltmp0, $4  }
0x29: {  	s18 =	sadd.s32 $0x2800, s19;
	[sflag:s10] =	ssyncadd.s32 $0xFFFFC000  }
0x2a: {  	[spmem:s2] =	stream.indirect.scatter.add.f32 [tilespmem:s15], [sflag:$0x1], $0x80, s18, s14, $0xb8;
	[tilespmem:$0x1D000] =	vst v63  }
0x2b: {  	_ =	swait.ge [sflag:s10], $0x4000  }
0x2c: {  	s18 =	smov.u32 s20;
	[sflag:s10] =	ssyncset.done $0x0  }
0x2d: {  	s17 =	sshra.s32 s17, $0x2;
	[sflag:s10] =	ssyncadd.s32 $0xFFFFC000  }
0x2e: {  	[tilespmem:s15], [sflag:$0x1] =	stream.indirect.gather [hbm4b:s4+s14], $0x80, s17, s14, $0xb8;
	[tilespmem:$0x1D000] =	vst v63  }
0x2f: {  	_ =	swait.ge [sflag:s10], $0x4000  }
0x30: {  	[sflag:s10] =	ssyncset.done $0x0  }
0x31: {  	s17 =	sadd.s32 $0x2800, s17;
	[sflag:s10] =	ssyncadd.s32 $0xFFFFC000  }
0x32: {  	[spmem:s2] =	stream.indirect.scatter.add.f32 [tilespmem:s15], [sflag:$0x1], $0x80, s17, s14, $0xb8;
	[tilespmem:$0x1D000] =	vst v63  }
0x33: {  	_ =	swait.ge [sflag:s10], $0x4000  }
0x34: {  	s16 =	sadd.s32 $0x1, s16;
	[sflag:s10] =	ssyncset.done $0x0  }
0x35: {  	p0 =	sne.s32 s16, s9;
	[sflag:s10] =	ssyncadd.s32 $0xFFFFC000  }
.Ltmp1:
0x36: {  	[bflag:$0x0] =	sbarrier.arrive $0xFFFF;
	(pc) =	sbr.rel @p0 .LBB2_1-.Ltmp1, $4  }
0x37: {  	[hbm:s8], [sflag:s12] =	dma.local [spmem:s13], $0x2800  }
0x38: {  	_ =	swait.ge [sflag:s10], $0x2800  }
0x39: {  	[sflag:s10] =	ssyncset.done $0x0  }
0x3a: {  	[sflag:s10] =	ssyncadd.s32 $0xFFFFD800  }
0x3b: {  	_ =	sfence.sel $0x180000  }
0x3c: {  	[bflag:$0x0] =	sbarrier.arrive $0xFFFF  }
0x3d: {  	p0 =	sne.s32 s0, $0x0;
	_ =	strace $0x9000004A  }
0x3e: {  	s0 =	sadd.s32 @!p0 $0x100000, s1;
	[bflag:$0x2] =	sbarrier.arrive $0xFFFF  }
0x3f: {  	[sflag:s0] =	ssyncadd.tile.s32 @!p0 $0x1;
	_ =	shalt  }
.Lfunc_end2:
_tile_overlayer_lowered:
.L_overlay_start_2:
0x40: {  	(tag) =	ssettag $0x2  }
0x41: {  	s0 =	rddreg [dreg:$0x0];
	s2 =	stileid.u32  }
0x42: {  	s1 =	rddreg [dreg:$0x1];
	p0 =	sne.s32 s2, $0x0  }
0x43: {  	s3 =	rddreg [dreg:$0x2];
	[bflag:$0x3] =	sbarrier.arrive $0xFFFF;
	s2 =	simm.s32 @!p0 $0x1C01  }
0x44: {  	[timem:s3], [sflag:s2] =	dma.local @!p0 [hbm:s0], s1  }
0x45: {  	s0 =	simm.s32 @!p0 $0x1  }
0x46: {  	_ =	swait.ge @!p0 [sflag:s0], s1  }
0x47: {  	s1 =	ssub.s32 @!p0 $0x0, s1;
	[sflag:s0] =	ssyncset.done @!p0 $0x0  }
0x48: {  	[sflag:s0] =	ssyncadd.s32 @!p0 s1  }
0x49: {  	[bflag:$0x3] =	sbarrier.arrive $0xFFFF  }
0x4a: {  	_ =	shalt  }

// kernel: kernel.14.cloned.1.call-start
scs
__scs_entry_jumppad:
0x0: {  	(pc) =	sbr.rel $0x88, $3  }
0x1: {  	(tag) =	ssettag $0x0;
	lr =	simm.s32 $0x1  }
0x2: {  	[smem:$0x3F99] =	sst lr;
	_ =	strace $0xD0000000  }
0x3: {  	_ = 	snop  }
0x4: {  	_ = 	snop  }
0x5: {  	_ = 	snop  }
0x6: {  	_ = 	snop  }
0x7: {  	_ = 	snop  }
__scs_overlays_trampoline_lowered:
0x8: {  	[smem:$0x3FA8] =	sst s0  }
0x9: {  	[smem:$0x3FA9] =	sst s1  }
0xa: {  	[smem:$0x3FAA] =	sst s2  }
0xb: {  	[smem:$0x3FAB] =	sst s3  }
0xc: {  	[smem:$0x3FAC] =	sst s4  }
0xd: {  	[smem:$0x3FAD] =	sst s5  }
0xe: {  	[smem:$0x3FAE] =	sst s6  }
0xf: {  	[smem:$0x3FAF] =	sst s7  }
0x10: {  	[smem:$0x3FB0] =	sst s8  }
0x11: {  	[smem:$0x3FB1] =	sst s9;
	s0 =	simm.s32 @!p0 $0x0  }
0x12: {  	s1 =	sld [smem:$0x3F97];
	s0 =	simm.s32 @p0 $0x1  }
0x13: {  	[smem:$0x3FB2] =	sst s0;
	s0 =	simm.s32 @!p1 $0x0  }
0x14: {  	s2 =	sld [smem:$0x3F96];
	s0 =	simm.s32 @p1 $0x1  }
0x15: {  	[smem:$0x3FB3] =	sst s0;
	s0 =	simm.s32 @!p2 $0x0  }
0x16: {  	s3 =	sld [smem:$0x3FDB];
	s0 =	simm.s32 @p2 $0x1  }
0x17: {  	s4 =	simm.s32 $0x1BF5;
	[smem:$0x3FB5] =	sst s0  }
0x18: {  	s0 =	sld [smem:$0x3F98];
	_ =	swait.ge [sflag:s4], $0x0  }
0x19: {  	s7 =	sld [smem:$0x3F99]  }
0x1a: {  	s8 =	sadd.s32 $0xFFFFE003, lr  }
0x1b: {  	s9 =	sadd.s32 $0xFFFFFEF7, lr;
	s5 =	simm.s32 $0xFFFFFFFF;
	p2 =	slt.u32 s8, $0xFFFFF086  }
0x1c: {  	p1 =	slt.u32 s9, $0xF7A;
	s5 =	simm.s32 @!p2 $0x0  }
0x1d: {  	s5 =	simm.s32 @p1 $0x1;
	p0 =	seq.s32 s7, s2  }
0x1e: {  	s7 =	smul.u32 @!p0 $0xF7A, s2;
	p2 =	seq.s32 @!p0 s5, $0x0  }
0x1f: {  	s9 =	smul.u32 $0xF7A, s1;
	s8 =	simm.s32 @!p0 $0x1BF5;
	p2 =	por !p2, p0  }
0x20: {  	[sflag:s8] =	ssyncset.s32 @!p0 $0xFFFFF086;
	s6 =	sadd.s32 @!p0 s3, s7;
	s7 =	simm.s32 @!p0 $0x108  }
0x21: {  	s3 =	sadd.s32 s3, s9;
	s6 =	sadd.s32 @!p0 $0x88, s6;
	s7 =	simm.s32 @p2 $0x1082  }
0x22: {  	[simem:s7], [sflag:s8] =	dma.local @!p0 [hbm:s6], $0xF7A  }
0x23: {  	s9 =	sor.u32 $0xD0000000, s2;
	s6 =	simm.s32 $0x108;
	_ =	swait.ge @!p0 [sflag:s8], $0x0  }
0x24: {  	s3 =	sadd.s32 $0x88, s3;
	s6 =	simm.s32 @!p1 $0x1082;
	[sflag:s4] =	ssyncset.s32 $0xFFFFF086  }
0x25: {  	[simem:s6], [sflag:s4] =	dma.local [hbm:s3], $0xF7A  }
0x26: {  	[smem:$0x3F99] =	sst s1;
	(tag) =	ssettag s2;
	_ =	strace s9  }
0x27: {  	s1 =	sld [smem:$0x3FA9]  }
0x28: {  	s2 =	sld [smem:$0x3FAA]  }
0x29: {  	s4 =	sld [smem:$0x3FAC]  }
0x2a: {  	p0 =	seq.s32 s5, $0x0;
	s5 =	sld [smem:$0x3FAD]  }
0x2b: {  	s6 =	sld [smem:$0x3FAE]  }
0x2c: {  	s7 =	sld [smem:$0x3FAF]  }
0x2d: {  	s3 =	simm.s32 $0x108;
	s8 =	sld [smem:$0x3FB0]  }
0x2e: {  	s3 =	simm.s32 @!p0 $0x1082;
	s9 =	sld [smem:$0x3FB1]  }
0x2f: {  	lr =	sadd.s32 s0, s3;
	s0 =	sld [smem:$0x3FA8]  }
0x30: {  	s3 =	sld [smem:$0x3FAB]  }
0x31: {  	[smem:$0x3FB4] =	sst s10  }
0x32: {  	s10 =	sld [smem:$0x3FB2];
	_ =	sdelay $0x3  }
0x33: {  	p0 =	seq.s32 s10, $0x1;
	s10 =	sld [smem:$0x3FB4];
	_ =	sdelay $0x3  }
0x34: {  	[smem:$0x3FB4] =	sst s10  }
0x35: {  	s10 =	sld [smem:$0x3FB3];
	_ =	sdelay $0x3  }
0x36: {  	p1 =	seq.s32 s10, $0x1;
	s10 =	sld [smem:$0x3FB4];
	_ =	sdelay $0x3  }
0x37: {  	[smem:$0x3FB4] =	sst s10  }
0x38: {  	s10 =	sld [smem:$0x3FB5]  }
0x39: {  	_ = 	snop;
	(pc) =	sbr.ind lr, $3  }
0x3a: {  	_ = 	snop  }
0x3b: {  	_ = 	snop  }
0x3c: {  	p2 =	seq.s32 s10, $0x1;
	s10 =	sld [smem:$0x3FB4]  }
0x3d: {  	_ =	shalt  }
0x3e: {  	_ =	shalt  }
0x3f: {  	_ =	shalt  }
0x40: {  	_ =	shalt  }
0x41: {  	_ =	shalt  }
0x42: {  	_ =	shalt  }
0x43: {  	_ =	shalt  }
0x44: {  	_ =	shalt  }
0x45: {  	_ =	shalt  }
0x46: {  	_ =	shalt  }
0x47: {  	_ =	shalt  }
0x48: {  	_ =	shalt  }
0x49: {  	_ =	shalt  }
0x4a: {  	_ =	shalt  }
0x4b: {  	_ =	shalt  }
0x4c: {  	_ =	shalt  }
0x4d: {  	_ =	shalt  }
0x4e: {  	_ =	shalt  }
0x4f: {  	_ =	shalt  }
0x50: {  	_ =	shalt  }
0x51: {  	_ =	shalt  }
0x52: {  	_ =	shalt  }
0x53: {  	_ =	shalt  }
0x54: {  	_ =	shalt  }
0x55: {  	_ =	shalt  }
0x56: {  	_ =	shalt  }
0x57: {  	_ =	shalt  }
0x58: {  	_ =	shalt  }
0x59: {  	_ =	shalt  }
0x5a: {  	_ =	shalt  }
0x5b: {  	_ =	shalt  }
0x5c: {  	_ =	shalt  }
0x5d: {  	_ =	shalt  }
0x5e: {  	_ =	shalt  }
0x5f: {  	_ =	shalt  }
0x60: {  	_ =	shalt  }
0x61: {  	_ =	shalt  }
0x62: {  	_ =	shalt  }
0x63: {  	_ =	shalt  }
0x64: {  	_ =	shalt  }
0x65: {  	_ =	shalt  }
0x66: {  	_ =	shalt  }
0x67: {  	_ =	shalt  }
0x68: {  	_ =	shalt  }
0x69: {  	_ =	shalt  }
0x6a: {  	_ =	shalt  }
0x6b: {  	_ =	shalt  }
0x6c: {  	_ =	shalt  }
0x6d: {  	_ =	shalt  }
0x6e: {  	_ =	shalt  }
0x6f: {  	_ =	shalt  }
0x70: {  	_ =	shalt  }
0x71: {  	_ =	shalt  }
0x72: {  	_ =	shalt  }
0x73: {  	_ =	shalt  }
0x74: {  	_ =	shalt  }
0x75: {  	_ =	shalt  }
0x76: {  	_ =	shalt  }
0x77: {  	_ =	shalt  }
0x78: {  	_ =	shalt  }
0x79: {  	_ =	shalt  }
0x7a: {  	_ =	shalt  }
0x7b: {  	_ =	shalt  }
0x7c: {  	_ =	shalt  }
0x7d: {  	_ =	shalt  }
0x7e: {  	_ =	shalt  }
0x7f: {  	_ =	shalt  }
0x80: {  	_ =	shalt  }
0x81: {  	_ =	shalt  }
0x82: {  	_ =	shalt  }
0x83: {  	_ =	shalt  }
0x84: {  	_ =	shalt  }
0x85: {  	_ =	shalt  }
0x86: {  	_ =	shalt  }
0x87: {  	_ =	shalt  }
.Lfunc_end0:
.L_simem_size_0:
called_computation.2_lowered:
.L_overlay_start_0:
0x88: {  	s2 =	sld [smem:$0x3FD9]  }
0x89: {  	s3 =	sld [smem:$0x3FFE];
	_ =	sdelay $0x1  }
0x8a: {  	s1 =	srdreg.scid  }
0x8b: {  	s0 =	sand.u32 $0x1, s1  }
0x8c: {  	s17 =	sshll.u32 s0, $0xA;
	s2 =	sadd.s32 s3, s2  }
0x8d: {  	s2 =	sadd.s32 s2, s17  }
0x8e: {  	[smem:$0x3FC0] =	sst s2  }
0x8f: {  	_ = 	snop  }
0x90: {  	s2 =	sld [smem:$0x3FD0];
	(tm) =	ssettm $0x1  }
0x91: {  	s18 =	sld [smem:$0x3FFB];
	_ =	sdelay $0x3  }
0x92: {  	_ =	strace s18  }
0x93: {  	s3 =	sld [smem:$0x3FFC];
	_ =	sdelay $0x3  }
0x94: {  	_ =	strace s3  }
0x95: {  	s3 =	sld [smem:$0x3FFD];
	_ =	sdelay $0x3  }
0x96: {  	_ =	strace s3  }
0x97: {  	_ =	strace $0x8FFFFFFF  }
0x98: {  	s19 =	sld [smem:$0x3FDB];
	_ =	sdelay $0x1  }
0x99: {  	s4 =	simm.s32 $_scs_section_size  }
0x9a: {  	s5 =	simm.s32 $_size__tile_overlayer_lowered;
	s6 =	simm.s32 $_tile_overlayer_lowered  }
0x9b: {  	s22 =	simm.s32 $0x1BFF;
	s21 =	sshll.u32 s6, $0x1;
	s3 =	sadd.s32 s4, s19  }
0x9c: {  	s7 =	simm.s32 $0x0;
	s20 =	sshll.u32 s5, $0x1;
	s5 =	sadd.s32 s21, s3  }
0x9d: {  	[timem:s7], [sflag:s22] =	dma.local [hbm:s5], s20  }
0x9e: {  	_ =	swait.ge [sflag:s22], s20  }
0x9f: {  	s4 =	ssub.s32 $0x0, s20;
	[sflag:s22] =	ssyncset.done $0x0  }
0xa0: {  	[sflag:s22] =	ssyncadd.s32 s4;
	_ =	sdelay $0x1  }
0xa1: {  	s23 =	simm.s32 $0x1B8B  }
0xa2: {  	_ =	swait.ge [sflag:s23], $0x1  }
0xa3: {  	[sflag:s23] =	ssyncset.done $0x0  }
0xa4: {  	s25 =	simm.s32 $0x1B8E;
	s24 =	sld [smem:$0x3FFE];
	[sflag:s23] =	ssyncadd.s32 $0xFFFFFFFF  }
0xa5: {  	s26 =	simm.s32 $execute0_lowered;
	[smem:$0x3FD2] =	sst s25  }
0xa6: {  	s5 =	sshll.u32 s26, $0x1;
	_ =	strace $0x8000004C;
	[dreg:$0x1] =	wrdreg $0xFFFFFFFF  }
0xa7: {  	s28 =	simm.s32 $_size_execute0_lowered;
	s3 =	sadd.s32 s3, s5;
	[dreg:$0x0] =	wrdreg $0x0  }
0xa8: {  	s5 =	sshll.u32 s28, $0x1;
	[dreg:$0x2] =	wrdreg s3  }
0xa9: {  	[dreg:$0x3] =	wrdreg s5  }
0xaa: {  	[dreg:$0x4] =	wrdreg $0xC0  }
0xab: {  	_ =	task [dreg:s7], $0x5FFFF  }
0xac: {  	[dreg:$0x1] =	wrdreg $0xFFFFFFFF  }
0xad: {  	[dreg:$0x0] =	wrdreg $0x60  }
0xae: {  	[dreg:$0x2] =	wrdreg s24  }
0xaf: {  	[dreg:$0x3] =	wrdreg s2  }
0xb0: {  	[dreg:$0x4] =	wrdreg $0x90000  }
0xb1: {  	[dreg:$0x5] =	wrdreg $0x9  }
0xb2: {  	_ =	task.clear_ibuf [dreg:s7], $0x6FFFF;
	_ =	strace $0x9000004C  }
0xb3: {  	s29 =	simm.s32 $0x9;
	_ =	strace $0x8000004E  }
0xb4: {  	_ =	swait.ge [sflag:s29], $0x1  }
0xb5: {  	[sflag:s29] =	ssyncadd.s32 $0xFFFFFFFF  }
0xb6: {  	_ =	strace $0x9000004E  }
0xb7: {  	_ =	sfence  }
0xb8: {  	s30 =	sld [smem:$0x0];
	_ =	sdelay $0x2  }
0xb9: {  	s31 =	sshll.u32 s1, $0xD;
	s1 =	sshrl.u32 s1, $0x2  }
0xba: {  	s3 =	sand.u32 $0x4000, s31;
	s1 =	sadd.s32 s1, s30  }
0xbb: {  	s0 =	sor.u32 s3, s0;
	s1 =	sshll.u32 s1, $0x11  }
0xbc: {  	s0 =	sor.u32 s1, s0  }
0xbd: {  	s0 =	sadd.s32 $0x8F2B, s0  }
0xbe: {  	[sflag:s0] =	ssyncadd.remote.s32 $0x1  }
0xbf: {  	_ =	sfence.sel $0xFFFF  }
0xc0: {  	[dreg:$0x0] =	wrdreg $0xFFFFFFFF;
	(pc) =	sbr.abs _section_cstart, $3  }
0xc1: {  	[dreg:$0x1] =	wrdreg $0xFFFFFFFF  }
0xc2: {  	_ =	task.clear_ibuf [dreg:s7], $0x2FFFF;
	_ =	strace $0x9FFFFFFF  }
0xc3: {  	(tm) =	ssettm $0x7FFFFFFF  }
tec
execute0_lowered:
.L_overlay_start_1:
0x0: {  	(tag) =	ssettag $0x1  }
0x1: {  	s6 =	rddreg [dreg:$0x0]  }
0x2: {  	s7 =	rddreg [dreg:$0x1]  }
0x3: {  	s0 =	srdreg.scid;
	s2 =	rddreg [dreg:$0x2]  }
0x4: {  	s1 =	rddreg [dreg:$0x3];
	s5 =	sand.u32 $0x1, s0  }
0x5: {  	s0 =	stileid.u32;
	s4 =	smul.u32 $0x5000, s5  }
0x6: {  	s3 =	simm.s32 $0x0;
	s14 =	simm.s32 $0x80;
	s8 =	smul.u32 $0x500, s0  }
0x7: {  	s15 =	simm.s32 $0x5000;
	[smem:$0x7FF] =	sst s3;
	s9 =	smul.u32 $0x2800, s0  }
0x8: {  	s16 =	simm.s32 $0x0;
	s11 =	smul.u32 $0x28000, s5;
	_ =	strace $0x8000004D  }
0x9: {  	s28 =	ssub.s32 $0x2, s5;
	s12 =	smul.u32 $0x50000, s0;
	s5 =	sadd.s32 $0x2400, s6  }
0xa: {  	s31 =	sshll.u32 s0, $0x6;
	s29 =	sshrl.u32 s28, $0x1;
	s10 =	sadd.s32 s8, s4  }
0xb: {  	s4 =	sadd.s32 $0x40200, s6;
	s9 =	sadd.s32 s9, s11;
	s11 =	ssub.s32 s28, s29  }
0xc: {  	s30 =	sshrl.u32 s12, $0x2;
	s7 =	sadd.s32 s7, s8;
	s12 =	sor.u32 $0x1C01, s31  }
0xd: {  	s10 =	sadd.s32 s10, s6;
	s9 =	sadd.s32 s9, s6;
	s13 =	sadd.s32 s30, s2  }
0xe: {  	s6 =	sadd.s32 $0x36200, s10;
	s8 =	sadd.s32 $0x8E400, s9;
	s9 =	smax.u32 s11, $0x1  }
0xf: {  	s10 =	simm.s32 $0x1;
	s11 =	simm.s32 $0x2800;
	s13 =	sshrl.u32 s13, $0x3  }
.LBB2_1:
0x10: {  	[tilespmem:s3], [sflag:$0x1] =	stream.linear.gather [hbm4b:s6+s3], $0x2800, $0x38;
	[tilespmem:$0x1D000] =	vst v63  }
0x11: {  	_ =	swait.ge [sflag:s10], $0x2800  }
0x12: {  	[sflag:s10] =	ssyncset.done $0x0  }
0x13: {  	[sflag:s10] =	ssyncadd.s32 $0xFFFFD800  }
0x14: {  	[tilespmem:s11], [sflag:$0x1] =	stream.linear.gather [hbm4b:s7+s3], $0x2800, $0x38;
	[tilespmem:$0x1D000] =	vst v63  }
0x15: {  	_ =	swait.ge [sflag:s10], $0x2800  }
0x16: {  	[sflag:s10] =	ssyncset.done $0x0  }
0x17: {  	[sflag:s10] =	ssyncadd.s32 $0xFFFFD800  }
0x18: {  	[spmem:s13], [sflag:s12] =	dma.local [hbm:s5], $0x2800  }
0x19: {  	_ =	swait.ge [sflag:s10], $0x2800  }
0x1a: {  	[sflag:s10] =	ssyncset.done $0x0  }
0x1b: {  	[sflag:s10] =	ssyncadd.s32 $0xFFFFD800  }
0x1c: {  	s17 =	simm.s32 $0x0;
	[bflag:$0x0] =	sbarrier.arrive $0xFFFF  }
0x1d: {  	[tilespmem:s15], [sflag:$0x1] =	stream.indirect.gather [hbm4b:s4+s14], $0x80, s17, s14, $0xb8;
	[tilespmem:$0x1D000] =	vst v63  }
0x1e: {  	_ =	swait.ge [sflag:s10], $0x4000  }
0x1f: {  	[sflag:s10] =	ssyncset.done $0x0  }
0x20: {  	s31 =	simm.s32 $0x2800;
	[sflag:s10] =	ssyncadd.s32 $0xFFFFC000  }
0x21: {  	[spmem:s2] =	stream.indirect.scatter.add.f32 [tilespmem:s15], [sflag:$0x1], $0x80, s31, s14, $0xb8;
	[tilespmem:$0x1D000] =	vst v63  }
0x22: {  	_ =	swait.ge [sflag:s10], $0x4000  }
0x23: {  	s18 =	simm.s32 $0x400;
	s17 =	simm.s32 $0x200;
	[sflag:s10] =	ssyncset.done $0x0  }
.LBB2_2:
0x24: {  	s19 =	sshra.s32 s17, $0x2  }
0x25: {  	[sflag:s10] =	ssyncadd.s32 $0xFFFFC000;
	s17 =	smov.u32 s18;
	s20 =	sadd.s32 $0x200, s18  }
0x26: {  	[tilespmem:s15], [sflag:$0x1] =	stream.indirect.gather [hbm4b:s4+s14], $0x80, s19, s14, $0xb8;
	[tilespmem:$0x1D000] =	vst v63  }
0x27: {  	p0 =	sne.s32 s18, $0x9E00;
	_ =	swait.ge [sflag:s10], $0x4000  }
.Ltmp0:
0x28: {  	[sflag:s10] =	ssyncset.done $0x0;
	(pc) =	sbr.rel @p0 .LBB2_2-.Ltmp0, $4  }
0x29: {  	s18 =	sadd.s32 $0x2800, s19;
	[sflag:s10] =	ssyncadd.s32 $0xFFFFC000  }
0x2a: {  	[spmem:s2] =	stream.indirect.scatter.add.f32 [tilespmem:s15], [sflag:$0x1], $0x80, s18, s14, $0xb8;
	[tilespmem:$0x1D000] =	vst v63  }
0x2b: {  	_ =	swait.ge [sflag:s10], $0x4000  }
0x2c: {  	s18 =	smov.u32 s20;
	[sflag:s10] =	ssyncset.done $0x0  }
0x2d: {  	s17 =	sshra.s32 s17, $0x2;
	[sflag:s10] =	ssyncadd.s32 $0xFFFFC000  }
0x2e: {  	[tilespmem:s15], [sflag:$0x1] =	stream.indirect.gather [hbm4b:s4+s14], $0x80, s17, s14, $0xb8;
	[tilespmem:$0x1D000] =	vst v63  }
0x2f: {  	_ =	swait.ge [sflag:s10], $0x4000  }
0x30: {  	[sflag:s10] =	ssyncset.done $0x0  }
0x31: {  	s17 =	sadd.s32 $0x2800, s17;
	[sflag:s10] =	ssyncadd.s32 $0xFFFFC000  }
0x32: {  	[spmem:s2] =	stream.indirect.scatter.add.f32 [tilespmem:s15], [sflag:$0x1], $0x80, s17, s14, $0xb8;
	[tilespmem:$0x1D000] =	vst v63  }
0x33: {  	_ =	swait.ge [sflag:s10], $0x4000  }
0x34: {  	s16 =	sadd.s32 $0x1, s16;
	[sflag:s10] =	ssyncset.done $0x0  }
0x35: {  	p0 =	sne.s32 s16, s9;
	[sflag:s10] =	ssyncadd.s32 $0xFFFFC000  }
.Ltmp1:
0x36: {  	[bflag:$0x0] =	sbarrier.arrive $0xFFFF;
	(pc) =	sbr.rel @p0 .LBB2_1-.Ltmp1, $4  }
0x37: {  	[hbm:s8], [sflag:s12] =	dma.local [spmem:s13], $0x2800  }
0x38: {  	_ =	swait.ge [sflag:s10], $0x2800  }
0x39: {  	[sflag:s10] =	ssyncset.done $0x0  }
0x3a: {  	[sflag:s10] =	ssyncadd.s32 $0xFFFFD800  }
0x3b: {  	_ =	sfence.sel $0x180000  }
0x3c: {  	[bflag:$0x0] =	sbarrier.arrive $0xFFFF  }
0x3d: {  	p0 =	sne.s32 s0, $0x0;
	_ =	strace $0x9000004D  }
0x3e: {  	s0 =	sadd.s32 @!p0 $0x100000, s1;
	[bflag:$0x2] =	sbarrier.arrive $0xFFFF  }
0x3f: {  	[sflag:s0] =	ssyncadd.tile.s32 @!p0 $0x1;
	_ =	shalt  }
.Lfunc_end2:
_tile_overlayer_lowered:
.L_overlay_start_2:
0x40: {  	(tag) =	ssettag $0x2  }
0x41: {  	s0 =	rddreg [dreg:$0x0];
	s2 =	stileid.u32  }
0x42: {  	s1 =	rddreg [dreg:$0x1];
	p0 =	sne.s32 s2, $0x0  }
0x43: {  	s3 =	rddreg [dreg:$0x2];
	[bflag:$0x3] =	sbarrier.arrive $0xFFFF;
	s2 =	simm.s32 @!p0 $0x1C01  }
0x44: {  	[timem:s3], [sflag:s2] =	dma.local @!p0 [hbm:s0], s1  }
0x45: {  	s0 =	simm.s32 @!p0 $0x1  }
0x46: {  	_ =	swait.ge @!p0 [sflag:s0], s1  }
0x47: {  	s1 =	ssub.s32 @!p0 $0x0, s1;
	[sflag:s0] =	ssyncset.done @!p0 $0x0  }
0x48: {  	[sflag:s0] =	ssyncadd.s32 @!p0 s1  }
0x49: {  	[bflag:$0x3] =	sbarrier.arrive $0xFFFF  }
0x4a: {  	_ =	shalt  }

// kernel: kernel.8.cloned.1.call-start
scs
__scs_entry_jumppad:
0x0: {  	(pc) =	sbr.rel $0x88, $3  }
0x1: {  	(tag) =	ssettag $0x0;
	lr =	simm.s32 $0x1  }
0x2: {  	[smem:$0x3F99] =	sst lr;
	_ =	strace $0xD0000000  }
0x3: {  	_ = 	snop  }
0x4: {  	_ = 	snop  }
0x5: {  	_ = 	snop  }
0x6: {  	_ = 	snop  }
0x7: {  	_ = 	snop  }
__scs_overlays_trampoline_lowered:
0x8: {  	[smem:$0x3FA8] =	sst s0  }
0x9: {  	[smem:$0x3FA9] =	sst s1  }
0xa: {  	[smem:$0x3FAA] =	sst s2  }
0xb: {  	[smem:$0x3FAB] =	sst s3  }
0xc: {  	[smem:$0x3FAC] =	sst s4  }
0xd: {  	[smem:$0x3FAD] =	sst s5  }
0xe: {  	[smem:$0x3FAE] =	sst s6  }
0xf: {  	[smem:$0x3FAF] =	sst s7  }
0x10: {  	[smem:$0x3FB0] =	sst s8  }
0x11: {  	[smem:$0x3FB1] =	sst s9;
	s0 =	simm.s32 @!p0 $0x0  }
0x12: {  	s1 =	sld [smem:$0x3F97];
	s0 =	simm.s32 @p0 $0x1  }
0x13: {  	[smem:$0x3FB2] =	sst s0;
	s0 =	simm.s32 @!p1 $0x0  }
0x14: {  	s2 =	sld [smem:$0x3F96];
	s0 =	simm.s32 @p1 $0x1  }
0x15: {  	[smem:$0x3FB3] =	sst s0;
	s0 =	simm.s32 @!p2 $0x0  }
0x16: {  	s3 =	sld [smem:$0x3FDB];
	s0 =	simm.s32 @p2 $0x1  }
0x17: {  	s4 =	simm.s32 $0x1BF5;
	[smem:$0x3FB5] =	sst s0  }
0x18: {  	s0 =	sld [smem:$0x3F98];
	_ =	swait.ge [sflag:s4], $0x0  }
0x19: {  	s7 =	sld [smem:$0x3F99]  }
0x1a: {  	s8 =	sadd.s32 $0xFFFFE003, lr  }
0x1b: {  	s9 =	sadd.s32 $0xFFFFFEF7, lr;
	s5 =	simm.s32 $0xFFFFFFFF;
	p2 =	slt.u32 s8, $0xFFFFF086  }
0x1c: {  	p1 =	slt.u32 s9, $0xF7A;
	s5 =	simm.s32 @!p2 $0x0  }
0x1d: {  	s5 =	simm.s32 @p1 $0x1;
	p0 =	seq.s32 s7, s2  }
0x1e: {  	s7 =	smul.u32 @!p0 $0xF7A, s2;
	p2 =	seq.s32 @!p0 s5, $0x0  }
0x1f: {  	s9 =	smul.u32 $0xF7A, s1;
	s8 =	simm.s32 @!p0 $0x1BF5;
	p2 =	por !p2, p0  }
0x20: {  	[sflag:s8] =	ssyncset.s32 @!p0 $0xFFFFF086;
	s6 =	sadd.s32 @!p0 s3, s7;
	s7 =	simm.s32 @!p0 $0x108  }
0x21: {  	s3 =	sadd.s32 s3, s9;
	s6 =	sadd.s32 @!p0 $0x88, s6;
	s7 =	simm.s32 @p2 $0x1082  }
0x22: {  	[simem:s7], [sflag:s8] =	dma.local @!p0 [hbm:s6], $0xF7A  }
0x23: {  	s9 =	sor.u32 $0xD0000000, s2;
	s6 =	simm.s32 $0x108;
	_ =	swait.ge @!p0 [sflag:s8], $0x0  }
0x24: {  	s3 =	sadd.s32 $0x88, s3;
	s6 =	simm.s32 @!p1 $0x1082;
	[sflag:s4] =	ssyncset.s32 $0xFFFFF086  }
0x25: {  	[simem:s6], [sflag:s4] =	dma.local [hbm:s3], $0xF7A  }
0x26: {  	[smem:$0x3F99] =	sst s1;
	(tag) =	ssettag s2;
	_ =	strace s9  }
0x27: {  	s1 =	sld [smem:$0x3FA9]  }
0x28: {  	s2 =	sld [smem:$0x3FAA]  }
0x29: {  	s4 =	sld [smem:$0x3FAC]  }
0x2a: {  	p0 =	seq.s32 s5, $0x0;
	s5 =	sld [smem:$0x3FAD]  }
0x2b: {  	s6 =	sld [smem:$0x3FAE]  }
0x2c: {  	s7 =	sld [smem:$0x3FAF]  }
0x2d: {  	s3 =	simm.s32 $0x108;
	s8 =	sld [smem:$0x3FB0]  }
0x2e: {  	s3 =	simm.s32 @!p0 $0x1082;
	s9 =	sld [smem:$0x3FB1]  }
0x2f: {  	lr =	sadd.s32 s0, s3;
	s0 =	sld [smem:$0x3FA8]  }
0x30: {  	s3 =	sld [smem:$0x3FAB]  }
0x31: {  	[smem:$0x3FB4] =	sst s10  }
0x32: {  	s10 =	sld [smem:$0x3FB2];
	_ =	sdelay $0x3  }
0x33: {  	p0 =	seq.s32 s10, $0x1;
	s10 =	sld [smem:$0x3FB4];
	_ =	sdelay $0x3  }
0x34: {  	[smem:$0x3FB4] =	sst s10  }
0x35: {  	s10 =	sld [smem:$0x3FB3];
	_ =	sdelay $0x3  }
0x36: {  	p1 =	seq.s32 s10, $0x1;
	s10 =	sld [smem:$0x3FB4];
	_ =	sdelay $0x3  }
0x37: {  	[smem:$0x3FB4] =	sst s10  }
0x38: {  	s10 =	sld [smem:$0x3FB5]  }
0x39: {  	_ = 	snop;
	(pc) =	sbr.ind lr, $3  }
0x3a: {  	_ = 	snop  }
0x3b: {  	_ = 	snop  }
0x3c: {  	p2 =	seq.s32 s10, $0x1;
	s10 =	sld [smem:$0x3FB4]  }
0x3d: {  	_ =	shalt  }
0x3e: {  	_ =	shalt  }
0x3f: {  	_ =	shalt  }
0x40: {  	_ =	shalt  }
0x41: {  	_ =	shalt  }
0x42: {  	_ =	shalt  }
0x43: {  	_ =	shalt  }
0x44: {  	_ =	shalt  }
0x45: {  	_ =	shalt  }
0x46: {  	_ =	shalt  }
0x47: {  	_ =	shalt  }
0x48: {  	_ =	shalt  }
0x49: {  	_ =	shalt  }
0x4a: {  	_ =	shalt  }
0x4b: {  	_ =	shalt  }
0x4c: {  	_ =	shalt  }
0x4d: {  	_ =	shalt  }
0x4e: {  	_ =	shalt  }
0x4f: {  	_ =	shalt  }
0x50: {  	_ =	shalt  }
0x51: {  	_ =	shalt  }
0x52: {  	_ =	shalt  }
0x53: {  	_ =	shalt  }
0x54: {  	_ =	shalt  }
0x55: {  	_ =	shalt  }
0x56: {  	_ =	shalt  }
0x57: {  	_ =	shalt  }
0x58: {  	_ =	shalt  }
0x59: {  	_ =	shalt  }
0x5a: {  	_ =	shalt  }
0x5b: {  	_ =	shalt  }
0x5c: {  	_ =	shalt  }
0x5d: {  	_ =	shalt  }
0x5e: {  	_ =	shalt  }
0x5f: {  	_ =	shalt  }
0x60: {  	_ =	shalt  }
0x61: {  	_ =	shalt  }
0x62: {  	_ =	shalt  }
0x63: {  	_ =	shalt  }
0x64: {  	_ =	shalt  }
0x65: {  	_ =	shalt  }
0x66: {  	_ =	shalt  }
0x67: {  	_ =	shalt  }
0x68: {  	_ =	shalt  }
0x69: {  	_ =	shalt  }
0x6a: {  	_ =	shalt  }
0x6b: {  	_ =	shalt  }
0x6c: {  	_ =	shalt  }
0x6d: {  	_ =	shalt  }
0x6e: {  	_ =	shalt  }
0x6f: {  	_ =	shalt  }
0x70: {  	_ =	shalt  }
0x71: {  	_ =	shalt  }
0x72: {  	_ =	shalt  }
0x73: {  	_ =	shalt  }
0x74: {  	_ =	shalt  }
0x75: {  	_ =	shalt  }
0x76: {  	_ =	shalt  }
0x77: {  	_ =	shalt  }
0x78: {  	_ =	shalt  }
0x79: {  	_ =	shalt  }
0x7a: {  	_ =	shalt  }
0x7b: {  	_ =	shalt  }
0x7c: {  	_ =	shalt  }
0x7d: {  	_ =	shalt  }
0x7e: {  	_ =	shalt  }
0x7f: {  	_ =	shalt  }
0x80: {  	_ =	shalt  }
0x81: {  	_ =	shalt  }
0x82: {  	_ =	shalt  }
0x83: {  	_ =	shalt  }
0x84: {  	_ =	shalt  }
0x85: {  	_ =	shalt  }
0x86: {  	_ =	shalt  }
0x87: {  	_ =	shalt  }
.Lfunc_end0:
.L_simem_size_0:
called_computation_lowered:
.L_overlay_start_0:
0x88: {  	s2 =	sld [smem:$0x3FD9]  }
0x89: {  	s3 =	sld [smem:$0x3FFE];
	_ =	sdelay $0x1  }
0x8a: {  	s1 =	srdreg.scid  }
0x8b: {  	s0 =	sand.u32 $0x1, s1  }
0x8c: {  	s16 =	sshll.u32 s0, $0xA;
	s2 =	sadd.s32 s3, s2  }
0x8d: {  	s2 =	sadd.s32 s2, s16  }
0x8e: {  	[smem:$0x3FC0] =	sst s2  }
0x8f: {  	_ = 	snop  }
0x90: {  	(tm) =	ssettm $0x1  }
0x91: {  	s17 =	sld [smem:$0x3FFB];
	_ =	sdelay $0x3  }
0x92: {  	_ =	strace s17  }
0x93: {  	s2 =	sld [smem:$0x3FFC];
	_ =	sdelay $0x3  }
0x94: {  	_ =	strace s2  }
0x95: {  	s2 =	sld [smem:$0x3FFD];
	_ =	sdelay $0x3  }
0x96: {  	_ =	strace s2  }
0x97: {  	_ =	strace $0x8FFFFFFF  }
0x98: {  	s18 =	sld [smem:$0x3FDB];
	_ =	sdelay $0x1  }
0x99: {  	s19 =	simm.s32 $_scs_section_size  }
0x9a: {  	s4 =	simm.s32 $_size__tile_overlayer_lowered;
	s5 =	simm.s32 $_tile_overlayer_lowered  }
0x9b: {  	s22 =	simm.s32 $0x1BFF;
	s21 =	sshll.u32 s5, $0x1;
	s2 =	sadd.s32 s19, s18  }
0x9c: {  	s6 =	simm.s32 $0x0;
	s20 =	sshll.u32 s4, $0x1;
	s4 =	sadd.s32 s21, s2  }
0x9d: {  	[timem:s6], [sflag:s22] =	dma.local [hbm:s4], s20  }
0x9e: {  	_ =	swait.ge [sflag:s22], s20  }
0x9f: {  	s3 =	ssub.s32 $0x0, s20;
	[sflag:s22] =	ssyncset.done $0x0  }
0xa0: {  	[sflag:s22] =	ssyncadd.s32 s3;
	_ =	sdelay $0x1  }
0xa1: {  	s23 =	simm.s32 $0x1B8B  }
0xa2: {  	_ =	swait.ge [sflag:s23], $0x1  }
0xa3: {  	[sflag:s23] =	ssyncset.done $0x0  }
0xa4: {  	s25 =	simm.s32 $0x1B8E;
	s24 =	sld [smem:$0x3FFE];
	[sflag:s23] =	ssyncadd.s32 $0xFFFFFFFF  }
0xa5: {  	s26 =	simm.s32 $execute0_lowered;
	[smem:$0x3FD2] =	sst s25  }
0xa6: {  	s4 =	sshll.u32 s26, $0x1;
	_ =	strace $0x80000046;
	[dreg:$0x1] =	wrdreg $0xFFFFFFFF  }
0xa7: {  	s28 =	simm.s32 $_size_execute0_lowered;
	s2 =	sadd.s32 s2, s4;
	[dreg:$0x0] =	wrdreg $0x0  }
0xa8: {  	s4 =	sshll.u32 s28, $0x1;
	[dreg:$0x2] =	wrdreg s2  }
0xa9: {  	[dreg:$0x3] =	wrdreg s4  }
0xaa: {  	[dreg:$0x4] =	wrdreg $0xC0  }
0xab: {  	_ =	task [dreg:s6], $0x5FFFF  }
0xac: {  	[dreg:$0x1] =	wrdreg $0xFFFFFFFF  }
0xad: {  	[dreg:$0x0] =	wrdreg $0x60  }
0xae: {  	[dreg:$0x2] =	wrdreg s24  }
0xaf: {  	[dreg:$0x3] =	wrdreg $0x68000  }
0xb0: {  	[dreg:$0x4] =	wrdreg $0x9  }
0xb1: {  	_ =	task.clear_ibuf [dreg:s6], $0x5FFFF;
	_ =	strace $0x90000046  }
0xb2: {  	s29 =	simm.s32 $0x9;
	_ =	strace $0x80000048  }
0xb3: {  	_ =	swait.ge [sflag:s29], $0x1  }
0xb4: {  	[sflag:s29] =	ssyncadd.s32 $0xFFFFFFFF  }
0xb5: {  	_ =	strace $0x90000048  }
0xb6: {  	_ =	sfence  }
0xb7: {  	s30 =	sld [smem:$0x0];
	_ =	sdelay $0x2  }
0xb8: {  	s31 =	sshll.u32 s1, $0xD;
	s1 =	sshrl.u32 s1, $0x2  }
0xb9: {  	s3 =	sand.u32 $0x4000, s31;
	s1 =	sadd.s32 s1, s30  }
0xba: {  	s0 =	sor.u32 s3, s0;
	s1 =	sshll.u32 s1, $0x11  }
0xbb: {  	s0 =	sor.u32 s1, s0  }
0xbc: {  	s0 =	sadd.s32 $0x8F2B, s0  }
0xbd: {  	[sflag:s0] =	ssyncadd.remote.s32 $0x1  }
0xbe: {  	_ =	sfence.sel $0xFFFF  }
0xbf: {  	[dreg:$0x0] =	wrdreg $0xFFFFFFFF;
	(pc) =	sbr.abs _section_cstart, $3  }
0xc0: {  	[dreg:$0x1] =	wrdreg $0xFFFFFFFF  }
0xc1: {  	_ =	task.clear_ibuf [dreg:s6], $0x2FFFF;
	_ =	strace $0x9FFFFFFF  }
0xc2: {  	(tm) =	ssettm $0x7FFFFFFF  }
0xc3: {  	_ =	shalt  }
tec
execute0_lowered:
.L_overlay_start_1:
0x0: {  	(tag) =	ssettag $0x1  }
0x1: {  	s6 =	rddreg [dreg:$0x0];
	s1 =	stileid.u32  }
0x2: {  	s0 =	srdreg.scid;
	s5 =	smul.u32 $0x500, s1  }
0x3: {  	s2 =	rddreg [dreg:$0x1];
	s3 =	simm.s32 $0x0;
	s10 =	smul.u32 $0x1400, s1  }
0x4: {  	s14 =	simm.s32 $0x1;
	s16 =	simm.s32 $0x0;
	s11 =	smul.u32 $0x29000, s1  }
0x5: {  	s7 =	sand.u32 $0x1, s0;
	s0 =	rddreg [dreg:$0x2];
	s12 =	smul.u32 $0x28000, s1  }
0x6: {  	[smem:$0x7FF] =	sst s3;
	s31 =	sshll.u32 s1, $0x6;
	s4 =	smul.u32 $0x5000, s7  }
0x7: {  	_ =	strace $0x80000047;
	s8 =	smul.u32 $0x14000, s7;
	s7 =	ssub.s32 $0x2, s7  }
0x8: {  	s28 =	sshrl.u32 s7, $0x1;
	s29 =	sshrl.u32 s11, $0x2;
	s30 =	sshrl.u32 s12, $0x2  }
0x9: {  	s11 =	sor.u32 $0x1C02, s31;
	s4 =	sadd.s32 s5, s4;
	s5 =	sadd.s32 $0xC400, s6  }
0xa: {  	s8 =	sadd.s32 s10, s8;
	s10 =	ssub.s32 s7, s28;
	s13 =	sadd.s32 s29, s2  }
0xb: {  	s15 =	sadd.s32 s30, s2;
	s9 =	sadd.s32 s4, s6;
	s4 =	sadd.s32 $0xDA00, s6  }
0xc: {  	s8 =	sadd.s32 s8, s6;
	s12 =	sshrl.u32 s13, $0x3;
	s13 =	simm.s32 $0x80  }
0xd: {  	s15 =	sshrl.u32 s15, $0x3;
	s6 =	sadd.s32 $0x2400, s9;
	s7 =	sadd.s32 $0xE200, s8  }
0xe: {  	s8 =	smax.u32 s10, $0x1;
	s9 =	simm.s32 $0x2;
	s10 =	simm.s32 $0x2800  }
.LBB2_1:
0xf: {  	[tilespmem:s3], [sflag:$0x2] =	stream.linear.gather [hbm4b:s6+s3], $0x2800, $0x38;
	[tilespmem:$0x10C00] =	vst v63  }
0x10: {  	_ =	swait.ge [sflag:s9], $0x2800  }
0x11: {  	[sflag:s9] =	ssyncset.done $0x0  }
0x12: {  	[sflag:s9] =	ssyncadd.s32 $0xFFFFD800  }
0x13: {  	[tilespmem:s10], [sflag:$0x2] =	stream.linear.gather [hbm4b:s4+s3], $0x4000, $0x38;
	[tilespmem:$0x10C00] =	vst v63  }
0x14: {  	_ =	swait.ge [sflag:s9], $0x4000  }
0x15: {  	[sflag:s9] =	ssyncset.done $0x0  }
0x16: {  	[sflag:s9] =	ssyncadd.s32 $0xFFFFC000  }
0x17: {  	[spmem:s12], [sflag:s11] =	dma.local [hbm:s5], $0x1480  }
0x18: {  	_ =	swait.ge [sflag:s9], $0x1480  }
0x19: {  	[sflag:s9] =	ssyncset.done $0x0  }
0x1a: {  	p0 =	por $0x1, $0x1;
	[sflag:s9] =	ssyncadd.s32 $0xFFFFEB80  }
0x1b: {  	s18 =	simm.s32 @!p0 $0x1;
	[bflag:$0x0] =	sbarrier.arrive $0xFFFF  }
0x1c: {  	_ =	swait.ge @!p0 [sflag:s18], $0x4000  }
0x1d: {  	s17 =	simm.s32 $0x1;
	[sflag:s18] =	ssyncset.done @!p0 $0x0  }
0x1e: {  	s19 =	simm.s32 $0x0;
	[sflag:s18] =	ssyncadd.s32 @!p0 $0xFFFFC000;
	s18 =	simm.s32 $0x80  }
.LBB2_2:
0x1f: {  	[spmem:s2] =	stream.indirect.scatter.add.f32 [tilespmem:s10], [sflag:$0x1], $0x80, s19, s13, $0xb8;
	[tilespmem:$0x10C00] =	vst v63  }
0x20: {  	p0 =	slt.u32 s17, $0x8;
	s17 =	sadd.s32 $0x1, s17  }
0x21: {  	p1 =	sne.s32 s17, $0x50  }
.Ltmp0:
0x22: {  	(pc) =	sbr.rel @p1 .LBB2_2-.Ltmp0, $4  }
0x23: {  	s19 =	smov.u32 s18;
	s20 =	simm.s32 @!p0 $0x1  }
0x24: {  	_ =	swait.ge @!p0 [sflag:s20], $0x4000  }
0x25: {  	[sflag:s20] =	ssyncset.done @!p0 $0x0  }
0x26: {  	s18 =	sadd.s32 $0x80, s18;
	[sflag:s20] =	ssyncadd.s32 @!p0 $0xFFFFC000  }
0x27: {  	[spmem:s2] =	stream.indirect.scatter.add.f32 [tilespmem:s10], [sflag:$0x1], $0x80, s19, s13, $0xb8;
	[tilespmem:$0x10C00] =	vst v63  }
0x28: {  	_ =	swait.ge [sflag:s14], $0x4000  }
0x29: {  	[sflag:s14] =	ssyncset.done $0x0  }
0x2a: {  	[sflag:s14] =	ssyncadd.s32 $0xFFFFC000  }
0x2b: {  	_ =	swait.ge [sflag:s14], $0x4000  }
0x2c: {  	[sflag:s14] =	ssyncset.done $0x0  }
0x2d: {  	[sflag:s14] =	ssyncadd.s32 $0xFFFFC000  }
0x2e: {  	_ =	swait.ge [sflag:s14], $0x4000  }
0x2f: {  	[sflag:s14] =	ssyncset.done $0x0  }
0x30: {  	[sflag:s14] =	ssyncadd.s32 $0xFFFFC000  }
0x31: {  	_ =	swait.ge [sflag:s14], $0x4000  }
0x32: {  	[sflag:s14] =	ssyncset.done $0x0  }
0x33: {  	[sflag:s14] =	ssyncadd.s32 $0xFFFFC000  }
0x34: {  	_ =	swait.ge [sflag:s14], $0x4000  }
0x35: {  	[sflag:s14] =	ssyncset.done $0x0  }
0x36: {  	[sflag:s14] =	ssyncadd.s32 $0xFFFFC000  }
0x37: {  	_ =	swait.ge [sflag:s14], $0x4000  }
0x38: {  	[sflag:s14] =	ssyncset.done $0x0  }
0x39: {  	[sflag:s14] =	ssyncadd.s32 $0xFFFFC000  }
0x3a: {  	_ =	swait.ge [sflag:s14], $0x4000  }
0x3b: {  	[sflag:s14] =	ssyncset.done $0x0  }
0x3c: {  	[sflag:s14] =	ssyncadd.s32 $0xFFFFC000  }
0x3d: {  	_ =	swait.ge [sflag:s14], $0x4000  }
0x3e: {  	s16 =	sadd.s32 $0x1, s16;
	[sflag:s14] =	ssyncset.done $0x0  }
0x3f: {  	p0 =	sne.s32 s16, s8;
	[sflag:s14] =	ssyncadd.s32 $0xFFFFC000  }
.Ltmp1:
0x40: {  	[bflag:$0x0] =	sbarrier.arrive $0xFFFF;
	(pc) =	sbr.rel @p0 .LBB2_1-.Ltmp1, $4  }
0x41: {  	[hbm:s7], [sflag:s11] =	dma.local [spmem:s15], $0x1400  }
0x42: {  	_ =	swait.ge [sflag:s9], $0x1400  }
0x43: {  	[sflag:s9] =	ssyncset.done $0x0  }
0x44: {  	[sflag:s9] =	ssyncadd.s32 $0xFFFFEC00  }
0x45: {  	_ =	sfence.sel $0x180000  }
0x46: {  	[bflag:$0x0] =	sbarrier.arrive $0xFFFF  }
0x47: {  	p0 =	sne.s32 s1, $0x0;
	_ =	strace $0x90000047  }
0x48: {  	s0 =	sadd.s32 @!p0 $0x100000, s0;
	[bflag:$0x2] =	sbarrier.arrive $0xFFFF  }
0x49: {  	[sflag:s0] =	ssyncadd.tile.s32 @!p0 $0x1;
	_ =	shalt  }
.Lfunc_end2:
_tile_overlayer_lowered:
.L_overlay_start_2:
0x4a: {  	(tag) =	ssettag $0x2  }
0x4b: {  	s0 =	rddreg [dreg:$0x0];
	s2 =	stileid.u32  }
0x4c: {  	s1 =	rddreg [dreg:$0x1];
	p0 =	sne.s32 s2, $0x0  }
0x4d: {  	s3 =	rddreg [dreg:$0x2];
	[bflag:$0x3] =	sbarrier.arrive $0xFFFF;
	s2 =	simm.s32 @!p0 $0x1C02  }
0x4e: {  	[timem:s3], [sflag:s2] =	dma.local @!p0 [hbm:s0], s1  }
0x4f: {  	s0 =	simm.s32 @!p0 $0x2  }
0x50: {  	_ =	swait.ge @!p0 [sflag:s0], s1  }
0x51: {  	s1 =	ssub.s32 @!p0 $0x0, s1;
	[sflag:s0] =	ssyncset.done @!p0 $0x0  }
0x52: {  	[sflag:s0] =	ssyncadd.s32 @!p0 s1  }
0x53: {  	[bflag:$0x3] =	sbarrier.arrive $0xFFFF  }
0x54: {  	_ =	shalt  }

</sc_bundles>
